<compile_context>
chip_gen: v7x
topology: tpu7x:2x2x1
jax: 0.10.2.dev20260603
libtpu: 0.0.44.dev20260713+nightly
codegen_flags: <defaults>
</compile_context>

<pallas_src>
import functools

import jax
import jax.numpy as jnp
from jax import lax
from jax.experimental import pallas as pl
from jax.experimental.pallas import tpu as pltpu
from jax.experimental.pallas import tpu_sc as plsc

BATCH = 16384
DIM = 16
NROWS = 1000000

_info = plsc.get_sparse_core_info()
_NC, _NS = _info.num_cores, _info.num_subcores
_NW = _NC * _NS
_BPW = BATCH // _NW
_CHUNK = 16
_NCHUNK = _BPW // _CHUNK

_mesh = plsc.VectorSubcoreMesh(core_axis_name="c", subcore_axis_name="s")


@functools.partial(
    pl.kernel,
    mesh=_mesh,
    compiler_params=pltpu.CompilerParams(needs_layout_passes=False),
    out_type=jax.ShapeDtypeStruct((BATCH,), jnp.float32),
    scratch_types=[
        pltpu.VMEM((_BPW,), jnp.int32),
        pltpu.VMEM((_BPW,), jnp.int32),
        pltpu.VMEM((DIM * DIM * 16,), jnp.float32),
        pltpu.VMEM((2, 8, _CHUNK * 128), jnp.float32),
        pltpu.VMEM((2, 8, _CHUNK * 128), jnp.float32),
        pltpu.VMEM((_BPW,), jnp.float32),
        pltpu.SemaphoreType.DMA,
    ],
)
def _sc_svd(user_hbm, item_hbm, utab_hbm, itab_hbm, wsplat_hbm, out_hbm,
            uidx_v, iidx_v, w_v, uf_v, if_v, out_v, sem):
    wid = lax.axis_index("s") * _NC + lax.axis_index("c")
    base = wid * _BPW
    pltpu.sync_copy(user_hbm.at[pl.ds(base, _BPW)], uidx_v)
    pltpu.sync_copy(item_hbm.at[pl.ds(base, _BPW)], iidx_v)
    pltpu.sync_copy(wsplat_hbm, w_v)

    iota = lax.broadcasted_iota(jnp.int32, (16,), 0)

    @pl.loop(0, _NCHUNK)
    def _chunk(c):
        uvec_c = uidx_v[pl.ds(c * _CHUNK, 16)]
        ivec_c = iidx_v[pl.ds(c * _CHUNK, 16)]

        @pl.loop(0, _CHUNK)
        def _fire(e):
            d128 = pl.ds(e * 128, 128)
            u = jnp.sum(jnp.where(iota == e, uvec_c, 0))
            i = jnp.sum(jnp.where(iota == e, ivec_c, 0))
            us = pl.ds(pl.multiple_of((u >> 7) * 128, 128), 128)
            isl = pl.ds(pl.multiple_of((i >> 7) * 128, 128), 128)
            pltpu.async_copy(utab_hbm.at[:, :, us], uf_v.at[:, :, d128], sem)
            pltpu.async_copy(itab_hbm.at[:, :, isl], if_v.at[:, :, d128], sem)

        for buf in (uf_v, if_v):
            pltpu.make_async_copy(
                utab_hbm.at[:, :, pl.ds(0, _CHUNK * 128)], buf, sem).wait()

        s16 = pl.ds(c * _CHUNK, 16)
        uvec = uidx_v[s16]
        ivec = iidx_v[s16]
        upos = iota * 128 + (uvec & 127)
        ipos = iota * 128 + (ivec & 127)
        zero = iota * 0
        ucols = [plsc.load_gather(uf_v, [zero + k // 8, zero + k % 8, upos])
                 for k in range(DIM)]
        icols = [plsc.load_gather(if_v, [zero + k // 8, zero + k % 8, ipos])
                 for k in range(DIM)]
        acc = jnp.zeros((16,), jnp.float32)
        for k in range(DIM):
            s = w_v[pl.ds(k * DIM * 16, 16)] * icols[0]
            for j in range(1, DIM):
                s = s + w_v[pl.ds((k * DIM + j) * 16, 16)] * icols[j]
            acc = acc + ucols[k] * s
        out_v[s16] = acc

    pltpu.sync_copy(out_v, out_hbm.at[pl.ds(base, _BPW)])


@jax.jit
def kernel(user, item, user_table, item_table, svd_weight):
    user = user.astype(jnp.int32)
    item = item.astype(jnp.int32)
    ut3 = user_table.T.reshape(2, 8, NROWS)
    it3 = item_table.T.reshape(2, 8, NROWS)
    wsplat = jnp.repeat(svd_weight.reshape(DIM * DIM), 16)
    return _sc_svd(user, item, ut3, it3, wsplat)

# --- scband reference (transcript-rebuilt; emitter-appended) ---
"""Pipeline reference for scband-pure-svd-10419590660733 (READ-ONLY COPY).

The authoritative reference and input builder live on the scoring server;
editing this copy changes nothing except your own understanding.
"""

import jax, jax.numpy as jnp
import numpy as np

NUM_USERS = 1000000
NUM_ITEMS = 1000000
LATENT_DIM = 16
BATCH = 16384

def setup_inputs(seed: int = 0) -> dict:
    key = jax.random.key(seed)
    k_user, k_item, k_ut, k_it, k_w = jax.random.split(key, 5)
    user = jax.random.randint(k_user, (BATCH,), 0, NUM_USERS, dtype=jnp.int64) if jax.config.jax_enable_x64 else jax.random.randint(k_user, (BATCH,), 0, NUM_USERS, dtype=jnp.int32)
    item = jax.random.randint(k_item, (BATCH,), 0, NUM_ITEMS, dtype=jnp.int32)
    user_table = jax.random.normal(k_ut, (NUM_USERS, LATENT_DIM), dtype=jnp.float32)
    item_table = jax.random.normal(k_it, (NUM_ITEMS, LATENT_DIM), dtype=jnp.float32)
    svd_weight = jax.random.normal(k_w, (LATENT_DIM, LATENT_DIM), dtype=jnp.float32)
    return {"user": user, "item": item, "user_table": user_table, "item_table": item_table, "svd_weight": svd_weight}

def reference(user, item, user_table, item_table, svd_weight):
    # user_embeds = self.user_embedding(user)
    user_embeds = jnp.take(user_table, user, axis=0)
    # item_embeds = self.item_embedding(item)
    item_embeds = jnp.take(item_table, item, axis=0)
    # svd = torch.matmul(user_embeds, self.svd_weight)
    svd = jnp.matmul(user_embeds, svd_weight)
    # return torch.sum(svd * item_embeds, dim=1)
    return jnp.sum(svd * item_embeds, axis=1)

if __name__ == "__main__":
    import jax
    _d = setup_inputs()
    print(jax.jit(kernel)(*tuple(_d.values())))

</pallas_src>

<mosaic_0001>
#map = affine_map<(d0, d1) -> (0)>
#map1 = affine_map<(d0, d1) -> (0, 0, 0)>
module attributes {stable_mosaic.version = 14 : i64} {
  func.func @_sc_svd(%arg0: i32, %arg1: i32, %arg2: memref<16384xi32, #tpu.memory_space<hbm>>, %arg3: memref<16384xi32, #tpu.memory_space<hbm>>, %arg4: memref<2x8x1000000xf32, #tpu.memory_space<hbm>>, %arg5: memref<2x8x1000000xf32, #tpu.memory_space<hbm>>, %arg6: memref<4096xf32, #tpu.memory_space<hbm>>, %arg7: memref<16384xf32, #tpu.memory_space<hbm>>, %arg8: memref<512xi32, #tpu.memory_space<vmem>>, %arg9: memref<512xi32, #tpu.memory_space<vmem>>, %arg10: memref<4096xf32, #tpu.memory_space<vmem>>, %arg11: memref<2x8x2048xf32, #tpu.memory_space<vmem>>, %arg12: memref<2x8x2048xf32, #tpu.memory_space<vmem>>, %arg13: memref<512xf32, #tpu.memory_space<vmem>>, %arg14: memref<!tpu.dma_semaphore, #tpu.memory_space<semaphore_mem>>) attributes {dimension_semantics = [#tpu.dimension_semantics<core_parallel>, #tpu.dimension_semantics<subcore_parallel>], iteration_bounds = array<i64: 2, 16>, scalar_prefetch = 0 : i64, scratch_operands = 7 : i64, tpu.core_type = #tpu.core_type<sc_vector_subcore>, window_params = [{transform_indices = #map}, {transform_indices = #map}, {transform_indices = #map1}, {transform_indices = #map1}, {transform_indices = #map}, {transform_indices = #map}]} {
    %mul3A = arith.constant 2 : i32
    %mul3A_0 = arith.muli %arg1, %mul3A : i32
    %add3A = arith.addi %mul3A_0, %arg0 : i32
    %mul3A_1 = arith.constant 512 : i32
    %mul3A_2 = arith.muli %add3A, %mul3A_1 : i32
    "tpu.region"() ({
      %run_scoped3A = tpu.sem_alloc : memref<!tpu.dma_semaphore, #tpu.memory_space<semaphore_mem>>
      %dma_start3A = tpu.memref_slice %arg2[%mul3A_2] : memref<16384xi32, #tpu.memory_space<hbm>> -> memref<512xi32, #tpu.memory_space<hbm>>
      %dma_start3A_7 = tpu.memref_slice %arg2[%mul3A_2] : memref<16384xi32, #tpu.memory_space<hbm>> -> memref<512xi32, #tpu.memory_space<hbm>>
      tpu.enqueue_dma source(%dma_start3A_7 : memref<512xi32, #tpu.memory_space<hbm>>) target(%arg8 : memref<512xi32, #tpu.memory_space<vmem>>) target_semaphore(%run_scoped3A : memref<!tpu.dma_semaphore, #tpu.memory_space<semaphore_mem>>)
      %dma_wait3A = tpu.memref_slice %arg2[%mul3A_2] : memref<16384xi32, #tpu.memory_space<hbm>> -> memref<512xi32, #tpu.memory_space<hbm>>
      %dma_wait3A_8 = tpu.memref_slice %arg2[%mul3A_2] : memref<16384xi32, #tpu.memory_space<hbm>> -> memref<512xi32, #tpu.memory_space<hbm>>
      tpu.wait_dma2 semaphore(%run_scoped3A : memref<!tpu.dma_semaphore, #tpu.memory_space<semaphore_mem>>) src(%dma_wait3A_8 : memref<512xi32, #tpu.memory_space<hbm>>) dst(%arg8 : memref<512xi32, #tpu.memory_space<vmem>>)
      tpu.yield
    }) : () -> ()
    "tpu.region"() ({
      %run_scoped3A = tpu.sem_alloc : memref<!tpu.dma_semaphore, #tpu.memory_space<semaphore_mem>>
      %dma_start3A = tpu.memref_slice %arg3[%mul3A_2] : memref<16384xi32, #tpu.memory_space<hbm>> -> memref<512xi32, #tpu.memory_space<hbm>>
      %dma_start3A_7 = tpu.memref_slice %arg3[%mul3A_2] : memref<16384xi32, #tpu.memory_space<hbm>> -> memref<512xi32, #tpu.memory_space<hbm>>
      tpu.enqueue_dma source(%dma_start3A_7 : memref<512xi32, #tpu.memory_space<hbm>>) target(%arg9 : memref<512xi32, #tpu.memory_space<vmem>>) target_semaphore(%run_scoped3A : memref<!tpu.dma_semaphore, #tpu.memory_space<semaphore_mem>>)
      %dma_wait3A = tpu.memref_slice %arg3[%mul3A_2] : memref<16384xi32, #tpu.memory_space<hbm>> -> memref<512xi32, #tpu.memory_space<hbm>>
      %dma_wait3A_8 = tpu.memref_slice %arg3[%mul3A_2] : memref<16384xi32, #tpu.memory_space<hbm>> -> memref<512xi32, #tpu.memory_space<hbm>>
      tpu.wait_dma2 semaphore(%run_scoped3A : memref<!tpu.dma_semaphore, #tpu.memory_space<semaphore_mem>>) src(%dma_wait3A_8 : memref<512xi32, #tpu.memory_space<hbm>>) dst(%arg9 : memref<512xi32, #tpu.memory_space<vmem>>)
      tpu.yield
    }) : () -> ()
    "tpu.region"() ({
      %run_scoped3A = tpu.sem_alloc : memref<!tpu.dma_semaphore, #tpu.memory_space<semaphore_mem>>
      tpu.enqueue_dma source(%arg6 : memref<4096xf32, #tpu.memory_space<hbm>>) target(%arg10 : memref<4096xf32, #tpu.memory_space<vmem>>) target_semaphore(%run_scoped3A : memref<!tpu.dma_semaphore, #tpu.memory_space<semaphore_mem>>)
      tpu.wait_dma2 semaphore(%run_scoped3A : memref<!tpu.dma_semaphore, #tpu.memory_space<semaphore_mem>>) src(%arg6 : memref<4096xf32, #tpu.memory_space<hbm>>) dst(%arg10 : memref<4096xf32, #tpu.memory_space<vmem>>)
      tpu.yield
    }) : () -> ()
    %iota3A = tpu.iota {dimensions = array<i32: 0>} : vector<16xi32>
    %scan3A = arith.constant 0 : i32
    %scan3A_3 = arith.constant 32 : i32
    %scan3A_4 = arith.addi %scan3A, %scan3A_3 : i32
    %scan3A_5 = arith.constant 1 : i32
    scf.for %scan3A_7 = %scan3A to %scan3A_4 step %scan3A_5  : i32 {
      %mul3A_8 = arith.constant 1 : i32
      %mul3A_9 = arith.muli %scan3A_7, %mul3A_8 : i32
      %add3A_10 = arith.constant 0 : i32
      %add3A_11 = arith.addi %add3A_10, %mul3A_9 : i32
      %mul3A_12 = arith.constant 16 : i32
      %mul3A_13 = arith.muli %add3A_11, %mul3A_12 : i32
      %get3A = arith.index_cast %mul3A_13 : i32 to index
      %get3A_14 = tpu.vector_load %arg8[%get3A] {strides = array<i32>} : memref<512xi32, #tpu.memory_space<vmem>>, vector<16xi32>,
      %mul3A_15 = arith.constant 16 : i32
      %mul3A_16 = arith.muli %add3A_11, %mul3A_15 : i32
      %get3A_17 = arith.index_cast %mul3A_16 : i32 to index
      %get3A_18 = tpu.vector_load %arg9[%get3A_17] {strides = array<i32>} : memref<512xi32, #tpu.memory_space<vmem>>, vector<16xi32>,
      %scan3A_19 = arith.constant 0 : i32
      %scan3A_20 = arith.constant 16 : i32
      %scan3A_21 = arith.addi %scan3A_19, %scan3A_20 : i32
      %scan3A_22 = arith.constant 1 : i32
      scf.for %scan3A_1326 = %scan3A_19 to %scan3A_21 step %scan3A_22  : i32 {
        %mul3A_1327 = arith.constant 1 : i32
        %mul3A_1328 = arith.muli %scan3A_1326, %mul3A_1327 : i32
        %add3A_1329 = arith.constant 0 : i32
        %add3A_1330 = arith.addi %add3A_1329, %mul3A_1328 : i32
        %mul3A_1331 = arith.constant 128 : i32
        %mul3A_1332 = arith.muli %add3A_1330, %mul3A_1331 : i32
        %eq3A = vector.broadcast %add3A_1330 : i32 to vector<16xi32>
        %eq3A_1333 = arith.cmpi eq, %iota3A, %eq3A : vector<16xi32>
        %jit3A = arith.constant 0 : i32
        %broadcast_in_dim3A_1334 = vector.broadcast %jit3A : i32 to vector<16xi32>
        %select_n3A = arith.select %eq3A_1333, %get3A_14, %broadcast_in_dim3A_1334 : vector<16xi1>, vector<16xi32>
        %reduce_sum3A = arith.constant true
        %reduce_sum3A_1335 = vector.broadcast %reduce_sum3A : i1 to vector<16xi1>
        %reduce_sum3A_1336 = tpu.scan <sum>, %select_n3A masked %reduce_sum3A_1335 : vector<16xi32>, vector<16xi1> -> vector<16xi32>
        %reduce_sum3A_1337 = vector.extract %reduce_sum3A_1336[15] : i32 from vector<16xi32>
        %eq3A_1338 = vector.broadcast %add3A_1330 : i32 to vector<16xi32>
        %eq3A_1339 = arith.cmpi eq, %iota3A, %eq3A_1338 : vector<16xi32>
        %jit3A_1340 = arith.constant 0 : i32
        %broadcast_in_dim3A_1341 = vector.broadcast %jit3A_1340 : i32 to vector<16xi32>
        %select_n3A_1342 = arith.select %eq3A_1339, %get3A_18, %broadcast_in_dim3A_1341 : vector<16xi1>, vector<16xi32>
        %reduce_sum3A_1343 = arith.constant true
        %reduce_sum3A_1344 = vector.broadcast %reduce_sum3A_1343 : i1 to vector<16xi1>
        %reduce_sum3A_1345 = tpu.scan <sum>, %select_n3A_1342 masked %reduce_sum3A_1344 : vector<16xi32>, vector<16xi1> -> vector<16xi32>
        %reduce_sum3A_1346 = vector.extract %reduce_sum3A_1345[15] : i32 from vector<16xi32>
        %shift_right_arithmetic3A = arith.constant 7 : i32
        %shift_right_arithmetic3A_1347 = arith.shrsi %reduce_sum3A_1337, %shift_right_arithmetic3A : i32
        %mul3A_1348 = arith.constant 128 : i32
        %mul3A_1349 = arith.muli %shift_right_arithmetic3A_1347, %mul3A_1348 : i32
        %multiple_of3A = tpu.assume_multiple %mul3A_1349, 128 : i32
        %shift_right_arithmetic3A_1350 = arith.constant 7 : i32
        %shift_right_arithmetic3A_1351 = arith.shrsi %reduce_sum3A_1346, %shift_right_arithmetic3A_1350 : i32
        %mul3A_1352 = arith.constant 128 : i32
        %mul3A_1353 = arith.muli %shift_right_arithmetic3A_1351, %mul3A_1352 : i32
        %multiple_of3A_1354 = tpu.assume_multiple %mul3A_1353, 128 : i32
        %dma_start3A = arith.constant 0 : i32
        %dma_start3A_1355 = arith.constant 0 : i32
        %dma_start3A_1356 = tpu.memref_slice %arg11[%dma_start3A, %dma_start3A_1355, %mul3A_1332] : memref<2x8x2048xf32, #tpu.memory_space<vmem>> -> memref<2x8x128xf32, #tpu.memory_space<vmem>>
        %dma_start3A_1357 = arith.constant 0 : i32
        %dma_start3A_1358 = arith.constant 0 : i32
        %dma_start3A_1359 = tpu.memref_slice %arg4[%dma_start3A_1357, %dma_start3A_1358, %multiple_of3A] : memref<2x8x1000000xf32, #tpu.memory_space<hbm>> -> memref<2x8x128xf32, #tpu.memory_space<hbm>>
        %dma_start3A_1360 = arith.constant 0 : i32
        %dma_start3A_1361 = arith.constant 0 : i32
        %dma_start3A_1362 = tpu.memref_slice %arg11[%dma_start3A_1360, %dma_start3A_1361, %mul3A_1332] : memref<2x8x2048xf32, #tpu.memory_space<vmem>> -> memref<2x8x128xf32, #tpu.memory_space<vmem>>
        %dma_start3A_1363 = arith.constant 0 : i32
        %dma_start3A_1364 = arith.constant 0 : i32
        %dma_start3A_1365 = tpu.memref_slice %arg4[%dma_start3A_1363, %dma_start3A_1364, %multiple_of3A] : memref<2x8x1000000xf32, #tpu.memory_space<hbm>> -> memref<2x8x128xf32, #tpu.memory_space<hbm>>
        tpu.enqueue_dma source(%dma_start3A_1365 : memref<2x8x128xf32, #tpu.memory_space<hbm>>) target(%dma_start3A_1362 : memref<2x8x128xf32, #tpu.memory_space<vmem>>) target_semaphore(%arg14 : memref<!tpu.dma_semaphore, #tpu.memory_space<semaphore_mem>>)
        %dma_start3A_1366 = arith.constant 0 : i32
        %dma_start3A_1367 = arith.constant 0 : i32
        %dma_start3A_1368 = tpu.memref_slice %arg12[%dma_start3A_1366, %dma_start3A_1367, %mul3A_1332] : memref<2x8x2048xf32, #tpu.memory_space<vmem>> -> memref<2x8x128xf32, #tpu.memory_space<vmem>>
        %dma_start3A_1369 = arith.constant 0 : i32
        %dma_start3A_1370 = arith.constant 0 : i32
        %dma_start3A_1371 = tpu.memref_slice %arg5[%dma_start3A_1369, %dma_start3A_1370, %multiple_of3A_1354] : memref<2x8x1000000xf32, #tpu.memory_space<hbm>> -> memref<2x8x128xf32, #tpu.memory_space<hbm>>
        %dma_start3A_1372 = arith.constant 0 : i32
        %dma_start3A_1373 = arith.constant 0 : i32
        %dma_start3A_1374 = tpu.memref_slice %arg12[%dma_start3A_1372, %dma_start3A_1373, %mul3A_1332] : memref<2x8x2048xf32, #tpu.memory_space<vmem>> -> memref<2x8x128xf32, #tpu.memory_space<vmem>>
        %dma_start3A_1375 = arith.constant 0 : i32
        %dma_start3A_1376 = arith.constant 0 : i32
        %dma_start3A_1377 = tpu.memref_slice %arg5[%dma_start3A_1375, %dma_start3A_1376, %multiple_of3A_1354] : memref<2x8x1000000xf32, #tpu.memory_space<hbm>> -> memref<2x8x128xf32, #tpu.memory_space<hbm>>
        tpu.enqueue_dma source(%dma_start3A_1377 : memref<2x8x128xf32, #tpu.memory_space<hbm>>) target(%dma_start3A_1374 : memref<2x8x128xf32, #tpu.memory_space<vmem>>) target_semaphore(%arg14 : memref<!tpu.dma_semaphore, #tpu.memory_space<semaphore_mem>>)
      }
      %scan3A_23 = arith.constant 16 : i32
      %dma_wait3A = arith.constant 0 : i32
      %dma_wait3A_24 = arith.constant 0 : i32
      %dma_wait3A_25 = arith.constant 0 : i32
      %dma_wait3A_26 = tpu.memref_slice %arg4[%dma_wait3A, %dma_wait3A_24, %dma_wait3A_25] : memref<2x8x1000000xf32, #tpu.memory_space<hbm>> -> memref<2x8x2048xf32, #tpu.memory_space<hbm>>
      %dma_wait3A_27 = arith.constant 0 : i32
      %dma_wait3A_28 = arith.constant 0 : i32
      %dma_wait3A_29 = arith.constant 0 : i32
      %dma_wait3A_30 = tpu.memref_slice %arg4[%dma_wait3A_27, %dma_wait3A_28, %dma_wait3A_29] : memref<2x8x1000000xf32, #tpu.memory_space<hbm>> -> memref<2x8x2048xf32, #tpu.memory_space<hbm>>
      tpu.wait_dma2 semaphore(%arg14 : memref<!tpu.dma_semaphore, #tpu.memory_space<semaphore_mem>>) src(%dma_wait3A_30 : memref<2x8x2048xf32, #tpu.memory_space<hbm>>) dst(%arg11 : memref<2x8x2048xf32, #tpu.memory_space<vmem>>)
      %dma_wait3A_31 = arith.constant 0 : i32
      %dma_wait3A_32 = arith.constant 0 : i32
      %dma_wait3A_33 = arith.constant 0 : i32
      %dma_wait3A_34 = tpu.memref_slice %arg4[%dma_wait3A_31, %dma_wait3A_32, %dma_wait3A_33] : memref<2x8x1000000xf32, #tpu.memory_space<hbm>> -> memref<2x8x2048xf32, #tpu.memory_space<hbm>>
      %dma_wait3A_35 = arith.constant 0 : i32
      %dma_wait3A_36 = arith.constant 0 : i32
      %dma_wait3A_37 = arith.constant 0 : i32
      %dma_wait3A_38 = tpu.memref_slice %arg4[%dma_wait3A_35, %dma_wait3A_36, %dma_wait3A_37] : memref<2x8x1000000xf32, #tpu.memory_space<hbm>> -> memref<2x8x2048xf32, #tpu.memory_space<hbm>>
      tpu.wait_dma2 semaphore(%arg14 : memref<!tpu.dma_semaphore, #tpu.memory_space<semaphore_mem>>) src(%dma_wait3A_38 : memref<2x8x2048xf32, #tpu.memory_space<hbm>>) dst(%arg12 : memref<2x8x2048xf32, #tpu.memory_space<vmem>>)
      %mul3A_39 = arith.constant 16 : i32
      %mul3A_40 = arith.muli %add3A_11, %mul3A_39 : i32
      %get3A_41 = arith.index_cast %mul3A_40 : i32 to index
      %get3A_42 = tpu.vector_load %arg8[%get3A_41] {strides = array<i32>} : memref<512xi32, #tpu.memory_space<vmem>>, vector<16xi32>,
      %get3A_43 = arith.index_cast %mul3A_40 : i32 to index
      %get3A_44 = tpu.vector_load %arg9[%get3A_43] {strides = array<i32>} : memref<512xi32, #tpu.memory_space<vmem>>, vector<16xi32>,
      %mul3A_45 = arith.constant 128 : i32
      %mul3A_46 = vector.broadcast %mul3A_45 : i32 to vector<16xi32>
      %mul3A_47 = arith.muli %iota3A, %mul3A_46 : vector<16xi32>
      %and3A = arith.constant 127 : i32
      %and3A_48 = vector.broadcast %and3A : i32 to vector<16xi32>
      %and3A_49 = arith.andi %get3A_42, %and3A_48 : vector<16xi32>
      %add3A_50 = arith.addi %mul3A_47, %and3A_49 : vector<16xi32>
      %mul3A_51 = arith.constant 128 : i32
      %mul3A_52 = vector.broadcast %mul3A_51 : i32 to vector<16xi32>
      %mul3A_53 = arith.muli %iota3A, %mul3A_52 : vector<16xi32>
      %and3A_54 = arith.constant 127 : i32
      %and3A_55 = vector.broadcast %and3A_54 : i32 to vector<16xi32>
      %and3A_56 = arith.andi %get3A_44, %and3A_55 : vector<16xi32>
      %add3A_57 = arith.addi %mul3A_53, %and3A_56 : vector<16xi32>
      %mul3A_58 = arith.constant 0 : i32
      %mul3A_59 = vector.broadcast %mul3A_58 : i32 to vector<16xi32>
      %mul3A_60 = arith.muli %iota3A, %mul3A_59 : vector<16xi32>
      %add3A_61 = arith.constant 0 : i32
      %add3A_62 = vector.broadcast %add3A_61 : i32 to vector<16xi32>
      %add3A_63 = arith.addi %mul3A_60, %add3A_62 : vector<16xi32>
      %add3A_64 = arith.constant 0 : i32
      %add3A_65 = vector.broadcast %add3A_64 : i32 to vector<16xi32>
      %add3A_66 = arith.addi %mul3A_60, %add3A_65 : vector<16xi32>
      %gather3A = tpu.vector_load_idx %arg11[%add3A_63, %add3A_66, %add3A_50] : memref<2x8x2048xf32, #tpu.memory_space<vmem>>[vector<16xi32>, vector<16xi32>, vector<16xi32>], vector<16xf32>,
      %add3A_67 = arith.constant 0 : i32
      %add3A_68 = vector.broadcast %add3A_67 : i32 to vector<16xi32>
      %add3A_69 = arith.addi %mul3A_60, %add3A_68 : vector<16xi32>
      %add3A_70 = arith.constant 1 : i32
      %add3A_71 = vector.broadcast %add3A_70 : i32 to vector<16xi32>
      %add3A_72 = arith.addi %mul3A_60, %add3A_71 : vector<16xi32>
      %gather3A_73 = tpu.vector_load_idx %arg11[%add3A_69, %add3A_72, %add3A_50] : memref<2x8x2048xf32, #tpu.memory_space<vmem>>[vector<16xi32>, vector<16xi32>, vector<16xi32>], vector<16xf32>,
      %add3A_74 = arith.constant 0 : i32
      %add3A_75 = vector.broadcast %add3A_74 : i32 to vector<16xi32>
      %add3A_76 = arith.addi %mul3A_60, %add3A_75 : vector<16xi32>
      %add3A_77 = arith.constant 2 : i32
      %add3A_78 = vector.broadcast %add3A_77 : i32 to vector<16xi32>
      %add3A_79 = arith.addi %mul3A_60, %add3A_78 : vector<16xi32>
      %gather3A_80 = tpu.vector_load_idx %arg11[%add3A_76, %add3A_79, %add3A_50] : memref<2x8x2048xf32, #tpu.memory_space<vmem>>[vector<16xi32>, vector<16xi32>, vector<16xi32>], vector<16xf32>,
      %add3A_81 = arith.constant 0 : i32
      %add3A_82 = vector.broadcast %add3A_81 : i32 to vector<16xi32>
      %add3A_83 = arith.addi %mul3A_60, %add3A_82 : vector<16xi32>
      %add3A_84 = arith.constant 3 : i32
      %add3A_85 = vector.broadcast %add3A_84 : i32 to vector<16xi32>
      %add3A_86 = arith.addi %mul3A_60, %add3A_85 : vector<16xi32>
      %gather3A_87 = tpu.vector_load_idx %arg11[%add3A_83, %add3A_86, %add3A_50] : memref<2x8x2048xf32, #tpu.memory_space<vmem>>[vector<16xi32>, vector<16xi32>, vector<16xi32>], vector<16xf32>,
      %add3A_88 = arith.constant 0 : i32
      %add3A_89 = vector.broadcast %add3A_88 : i32 to vector<16xi32>
      %add3A_90 = arith.addi %mul3A_60, %add3A_89 : vector<16xi32>
      %add3A_91 = arith.constant 4 : i32
      %add3A_92 = vector.broadcast %add3A_91 : i32 to vector<16xi32>
      %add3A_93 = arith.addi %mul3A_60, %add3A_92 : vector<16xi32>
      %gather3A_94 = tpu.vector_load_idx %arg11[%add3A_90, %add3A_93, %add3A_50] : memref<2x8x2048xf32, #tpu.memory_space<vmem>>[vector<16xi32>, vector<16xi32>, vector<16xi32>], vector<16xf32>,
      %add3A_95 = arith.constant 0 : i32
      %add3A_96 = vector.broadcast %add3A_95 : i32 to vector<16xi32>
      %add3A_97 = arith.addi %mul3A_60, %add3A_96 : vector<16xi32>
      %add3A_98 = arith.constant 5 : i32
      %add3A_99 = vector.broadcast %add3A_98 : i32 to vector<16xi32>
      %add3A_100 = arith.addi %mul3A_60, %add3A_99 : vector<16xi32>
      %gather3A_101 = tpu.vector_load_idx %arg11[%add3A_97, %add3A_100, %add3A_50] : memref<2x8x2048xf32, #tpu.memory_space<vmem>>[vector<16xi32>, vector<16xi32>, vector<16xi32>], vector<16xf32>,
      %add3A_102 = arith.constant 0 : i32
      %add3A_103 = vector.broadcast %add3A_102 : i32 to vector<16xi32>
      %add3A_104 = arith.addi %mul3A_60, %add3A_103 : vector<16xi32>
      %add3A_105 = arith.constant 6 : i32
      %add3A_106 = vector.broadcast %add3A_105 : i32 to vector<16xi32>
      %add3A_107 = arith.addi %mul3A_60, %add3A_106 : vector<16xi32>
      %gather3A_108 = tpu.vector_load_idx %arg11[%add3A_104, %add3A_107, %add3A_50] : memref<2x8x2048xf32, #tpu.memory_space<vmem>>[vector<16xi32>, vector<16xi32>, vector<16xi32>], vector<16xf32>,
      %add3A_109 = arith.constant 0 : i32
      %add3A_110 = vector.broadcast %add3A_109 : i32 to vector<16xi32>
      %add3A_111 = arith.addi %mul3A_60, %add3A_110 : vector<16xi32>
      %add3A_112 = arith.constant 7 : i32
      %add3A_113 = vector.broadcast %add3A_112 : i32 to vector<16xi32>
      %add3A_114 = arith.addi %mul3A_60, %add3A_113 : vector<16xi32>
      %gather3A_115 = tpu.vector_load_idx %arg11[%add3A_111, %add3A_114, %add3A_50] : memref<2x8x2048xf32, #tpu.memory_space<vmem>>[vector<16xi32>, vector<16xi32>, vector<16xi32>], vector<16xf32>,
      %add3A_116 = arith.constant 1 : i32
      %add3A_117 = vector.broadcast %add3A_116 : i32 to vector<16xi32>
      %add3A_118 = arith.addi %mul3A_60, %add3A_117 : vector<16xi32>
      %add3A_119 = arith.constant 0 : i32
      %add3A_120 = vector.broadcast %add3A_119 : i32 to vector<16xi32>
      %add3A_121 = arith.addi %mul3A_60, %add3A_120 : vector<16xi32>
      %gather3A_122 = tpu.vector_load_idx %arg11[%add3A_118, %add3A_121, %add3A_50] : memref<2x8x2048xf32, #tpu.memory_space<vmem>>[vector<16xi32>, vector<16xi32>, vector<16xi32>], vector<16xf32>,
      %add3A_123 = arith.constant 1 : i32
      %add3A_124 = vector.broadcast %add3A_123 : i32 to vector<16xi32>
      %add3A_125 = arith.addi %mul3A_60, %add3A_124 : vector<16xi32>
      %add3A_126 = arith.constant 1 : i32
      %add3A_127 = vector.broadcast %add3A_126 : i32 to vector<16xi32>
      %add3A_128 = arith.addi %mul3A_60, %add3A_127 : vector<16xi32>
      %gather3A_129 = tpu.vector_load_idx %arg11[%add3A_125, %add3A_128, %add3A_50] : memref<2x8x2048xf32, #tpu.memory_space<vmem>>[vector<16xi32>, vector<16xi32>, vector<16xi32>], vector<16xf32>,
      %add3A_130 = arith.constant 1 : i32
      %add3A_131 = vector.broadcast %add3A_130 : i32 to vector<16xi32>
      %add3A_132 = arith.addi %mul3A_60, %add3A_131 : vector<16xi32>
      %add3A_133 = arith.constant 2 : i32
      %add3A_134 = vector.broadcast %add3A_133 : i32 to vector<16xi32>
      %add3A_135 = arith.addi %mul3A_60, %add3A_134 : vector<16xi32>
      %gather3A_136 = tpu.vector_load_idx %arg11[%add3A_132, %add3A_135, %add3A_50] : memref<2x8x2048xf32, #tpu.memory_space<vmem>>[vector<16xi32>, vector<16xi32>, vector<16xi32>], vector<16xf32>,
      %add3A_137 = arith.constant 1 : i32
      %add3A_138 = vector.broadcast %add3A_137 : i32 to vector<16xi32>
      %add3A_139 = arith.addi %mul3A_60, %add3A_138 : vector<16xi32>
      %add3A_140 = arith.constant 3 : i32
      %add3A_141 = vector.broadcast %add3A_140 : i32 to vector<16xi32>
      %add3A_142 = arith.addi %mul3A_60, %add3A_141 : vector<16xi32>
      %gather3A_143 = tpu.vector_load_idx %arg11[%add3A_139, %add3A_142, %add3A_50] : memref<2x8x2048xf32, #tpu.memory_space<vmem>>[vector<16xi32>, vector<16xi32>, vector<16xi32>], vector<16xf32>,
      %add3A_144 = arith.constant 1 : i32
      %add3A_145 = vector.broadcast %add3A_144 : i32 to vector<16xi32>
      %add3A_146 = arith.addi %mul3A_60, %add3A_145 : vector<16xi32>
      %add3A_147 = arith.constant 4 : i32
      %add3A_148 = vector.broadcast %add3A_147 : i32 to vector<16xi32>
      %add3A_149 = arith.addi %mul3A_60, %add3A_148 : vector<16xi32>
      %gather3A_150 = tpu.vector_load_idx %arg11[%add3A_146, %add3A_149, %add3A_50] : memref<2x8x2048xf32, #tpu.memory_space<vmem>>[vector<16xi32>, vector<16xi32>, vector<16xi32>], vector<16xf32>,
      %add3A_151 = arith.constant 1 : i32
      %add3A_152 = vector.broadcast %add3A_151 : i32 to vector<16xi32>
      %add3A_153 = arith.addi %mul3A_60, %add3A_152 : vector<16xi32>
      %add3A_154 = arith.constant 5 : i32
      %add3A_155 = vector.broadcast %add3A_154 : i32 to vector<16xi32>
      %add3A_156 = arith.addi %mul3A_60, %add3A_155 : vector<16xi32>
      %gather3A_157 = tpu.vector_load_idx %arg11[%add3A_153, %add3A_156, %add3A_50] : memref<2x8x2048xf32, #tpu.memory_space<vmem>>[vector<16xi32>, vector<16xi32>, vector<16xi32>], vector<16xf32>,
      %add3A_158 = arith.constant 1 : i32
      %add3A_159 = vector.broadcast %add3A_158 : i32 to vector<16xi32>
      %add3A_160 = arith.addi %mul3A_60, %add3A_159 : vector<16xi32>
      %add3A_161 = arith.constant 6 : i32
      %add3A_162 = vector.broadcast %add3A_161 : i32 to vector<16xi32>
      %add3A_163 = arith.addi %mul3A_60, %add3A_162 : vector<16xi32>
      %gather3A_164 = tpu.vector_load_idx %arg11[%add3A_160, %add3A_163, %add3A_50] : memref<2x8x2048xf32, #tpu.memory_space<vmem>>[vector<16xi32>, vector<16xi32>, vector<16xi32>], vector<16xf32>,
      %add3A_165 = arith.constant 1 : i32
      %add3A_166 = vector.broadcast %add3A_165 : i32 to vector<16xi32>
      %add3A_167 = arith.addi %mul3A_60, %add3A_166 : vector<16xi32>
      %add3A_168 = arith.constant 7 : i32
      %add3A_169 = vector.broadcast %add3A_168 : i32 to vector<16xi32>
      %add3A_170 = arith.addi %mul3A_60, %add3A_169 : vector<16xi32>
      %gather3A_171 = tpu.vector_load_idx %arg11[%add3A_167, %add3A_170, %add3A_50] : memref<2x8x2048xf32, #tpu.memory_space<vmem>>[vector<16xi32>, vector<16xi32>, vector<16xi32>], vector<16xf32>,
      %add3A_172 = arith.constant 0 : i32
      %add3A_173 = vector.broadcast %add3A_172 : i32 to vector<16xi32>
      %add3A_174 = arith.addi %mul3A_60, %add3A_173 : vector<16xi32>
      %add3A_175 = arith.constant 0 : i32
      %add3A_176 = vector.broadcast %add3A_175 : i32 to vector<16xi32>
      %add3A_177 = arith.addi %mul3A_60, %add3A_176 : vector<16xi32>
      %gather3A_178 = tpu.vector_load_idx %arg12[%add3A_174, %add3A_177, %add3A_57] : memref<2x8x2048xf32, #tpu.memory_space<vmem>>[vector<16xi32>, vector<16xi32>, vector<16xi32>], vector<16xf32>,
      %add3A_179 = arith.constant 0 : i32
      %add3A_180 = vector.broadcast %add3A_179 : i32 to vector<16xi32>
      %add3A_181 = arith.addi %mul3A_60, %add3A_180 : vector<16xi32>
      %add3A_182 = arith.constant 1 : i32
      %add3A_183 = vector.broadcast %add3A_182 : i32 to vector<16xi32>
      %add3A_184 = arith.addi %mul3A_60, %add3A_183 : vector<16xi32>
      %gather3A_185 = tpu.vector_load_idx %arg12[%add3A_181, %add3A_184, %add3A_57] : memref<2x8x2048xf32, #tpu.memory_space<vmem>>[vector<16xi32>, vector<16xi32>, vector<16xi32>], vector<16xf32>,
      %add3A_186 = arith.constant 0 : i32
      %add3A_187 = vector.broadcast %add3A_186 : i32 to vector<16xi32>
      %add3A_188 = arith.addi %mul3A_60, %add3A_187 : vector<16xi32>
      %add3A_189 = arith.constant 2 : i32
      %add3A_190 = vector.broadcast %add3A_189 : i32 to vector<16xi32>
      %add3A_191 = arith.addi %mul3A_60, %add3A_190 : vector<16xi32>
      %gather3A_192 = tpu.vector_load_idx %arg12[%add3A_188, %add3A_191, %add3A_57] : memref<2x8x2048xf32, #tpu.memory_space<vmem>>[vector<16xi32>, vector<16xi32>, vector<16xi32>], vector<16xf32>,
      %add3A_193 = arith.constant 0 : i32
      %add3A_194 = vector.broadcast %add3A_193 : i32 to vector<16xi32>
      %add3A_195 = arith.addi %mul3A_60, %add3A_194 : vector<16xi32>
      %add3A_196 = arith.constant 3 : i32
      %add3A_197 = vector.broadcast %add3A_196 : i32 to vector<16xi32>
      %add3A_198 = arith.addi %mul3A_60, %add3A_197 : vector<16xi32>
      %gather3A_199 = tpu.vector_load_idx %arg12[%add3A_195, %add3A_198, %add3A_57] : memref<2x8x2048xf32, #tpu.memory_space<vmem>>[vector<16xi32>, vector<16xi32>, vector<16xi32>], vector<16xf32>,
      %add3A_200 = arith.constant 0 : i32
      %add3A_201 = vector.broadcast %add3A_200 : i32 to vector<16xi32>
      %add3A_202 = arith.addi %mul3A_60, %add3A_201 : vector<16xi32>
      %add3A_203 = arith.constant 4 : i32
      %add3A_204 = vector.broadcast %add3A_203 : i32 to vector<16xi32>
      %add3A_205 = arith.addi %mul3A_60, %add3A_204 : vector<16xi32>
      %gather3A_206 = tpu.vector_load_idx %arg12[%add3A_202, %add3A_205, %add3A_57] : memref<2x8x2048xf32, #tpu.memory_space<vmem>>[vector<16xi32>, vector<16xi32>, vector<16xi32>], vector<16xf32>,
      %add3A_207 = arith.constant 0 : i32
      %add3A_208 = vector.broadcast %add3A_207 : i32 to vector<16xi32>
      %add3A_209 = arith.addi %mul3A_60, %add3A_208 : vector<16xi32>
      %add3A_210 = arith.constant 5 : i32
      %add3A_211 = vector.broadcast %add3A_210 : i32 to vector<16xi32>
      %add3A_212 = arith.addi %mul3A_60, %add3A_211 : vector<16xi32>
      %gather3A_213 = tpu.vector_load_idx %arg12[%add3A_209, %add3A_212, %add3A_57] : memref<2x8x2048xf32, #tpu.memory_space<vmem>>[vector<16xi32>, vector<16xi32>, vector<16xi32>], vector<16xf32>,
      %add3A_214 = arith.constant 0 : i32
      %add3A_215 = vector.broadcast %add3A_214 : i32 to vector<16xi32>
      %add3A_216 = arith.addi %mul3A_60, %add3A_215 : vector<16xi32>
      %add3A_217 = arith.constant 6 : i32
      %add3A_218 = vector.broadcast %add3A_217 : i32 to vector<16xi32>
      %add3A_219 = arith.addi %mul3A_60, %add3A_218 : vector<16xi32>
      %gather3A_220 = tpu.vector_load_idx %arg12[%add3A_216, %add3A_219, %add3A_57] : memref<2x8x2048xf32, #tpu.memory_space<vmem>>[vector<16xi32>, vector<16xi32>, vector<16xi32>], vector<16xf32>,
      %add3A_221 = arith.constant 0 : i32
      %add3A_222 = vector.broadcast %add3A_221 : i32 to vector<16xi32>
      %add3A_223 = arith.addi %mul3A_60, %add3A_222 : vector<16xi32>
      %add3A_224 = arith.constant 7 : i32
      %add3A_225 = vector.broadcast %add3A_224 : i32 to vector<16xi32>
      %add3A_226 = arith.addi %mul3A_60, %add3A_225 : vector<16xi32>
      %gather3A_227 = tpu.vector_load_idx %arg12[%add3A_223, %add3A_226, %add3A_57] : memref<2x8x2048xf32, #tpu.memory_space<vmem>>[vector<16xi32>, vector<16xi32>, vector<16xi32>], vector<16xf32>,
      %add3A_228 = arith.constant 1 : i32
      %add3A_229 = vector.broadcast %add3A_228 : i32 to vector<16xi32>
      %add3A_230 = arith.addi %mul3A_60, %add3A_229 : vector<16xi32>
      %add3A_231 = arith.constant 0 : i32
      %add3A_232 = vector.broadcast %add3A_231 : i32 to vector<16xi32>
      %add3A_233 = arith.addi %mul3A_60, %add3A_232 : vector<16xi32>
      %gather3A_234 = tpu.vector_load_idx %arg12[%add3A_230, %add3A_233, %add3A_57] : memref<2x8x2048xf32, #tpu.memory_space<vmem>>[vector<16xi32>, vector<16xi32>, vector<16xi32>], vector<16xf32>,
      %add3A_235 = arith.constant 1 : i32
      %add3A_236 = vector.broadcast %add3A_235 : i32 to vector<16xi32>
      %add3A_237 = arith.addi %mul3A_60, %add3A_236 : vector<16xi32>
      %add3A_238 = arith.constant 1 : i32
      %add3A_239 = vector.broadcast %add3A_238 : i32 to vector<16xi32>
      %add3A_240 = arith.addi %mul3A_60, %add3A_239 : vector<16xi32>
      %gather3A_241 = tpu.vector_load_idx %arg12[%add3A_237, %add3A_240, %add3A_57] : memref<2x8x2048xf32, #tpu.memory_space<vmem>>[vector<16xi32>, vector<16xi32>, vector<16xi32>], vector<16xf32>,
      %add3A_242 = arith.constant 1 : i32
      %add3A_243 = vector.broadcast %add3A_242 : i32 to vector<16xi32>
      %add3A_244 = arith.addi %mul3A_60, %add3A_243 : vector<16xi32>
      %add3A_245 = arith.constant 2 : i32
      %add3A_246 = vector.broadcast %add3A_245 : i32 to vector<16xi32>
      %add3A_247 = arith.addi %mul3A_60, %add3A_246 : vector<16xi32>
      %gather3A_248 = tpu.vector_load_idx %arg12[%add3A_244, %add3A_247, %add3A_57] : memref<2x8x2048xf32, #tpu.memory_space<vmem>>[vector<16xi32>, vector<16xi32>, vector<16xi32>], vector<16xf32>,
      %add3A_249 = arith.constant 1 : i32
      %add3A_250 = vector.broadcast %add3A_249 : i32 to vector<16xi32>
      %add3A_251 = arith.addi %mul3A_60, %add3A_250 : vector<16xi32>
      %add3A_252 = arith.constant 3 : i32
      %add3A_253 = vector.broadcast %add3A_252 : i32 to vector<16xi32>
      %add3A_254 = arith.addi %mul3A_60, %add3A_253 : vector<16xi32>
      %gather3A_255 = tpu.vector_load_idx %arg12[%add3A_251, %add3A_254, %add3A_57] : memref<2x8x2048xf32, #tpu.memory_space<vmem>>[vector<16xi32>, vector<16xi32>, vector<16xi32>], vector<16xf32>,
      %add3A_256 = arith.constant 1 : i32
      %add3A_257 = vector.broadcast %add3A_256 : i32 to vector<16xi32>
      %add3A_258 = arith.addi %mul3A_60, %add3A_257 : vector<16xi32>
      %add3A_259 = arith.constant 4 : i32
      %add3A_260 = vector.broadcast %add3A_259 : i32 to vector<16xi32>
      %add3A_261 = arith.addi %mul3A_60, %add3A_260 : vector<16xi32>
      %gather3A_262 = tpu.vector_load_idx %arg12[%add3A_258, %add3A_261, %add3A_57] : memref<2x8x2048xf32, #tpu.memory_space<vmem>>[vector<16xi32>, vector<16xi32>, vector<16xi32>], vector<16xf32>,
      %add3A_263 = arith.constant 1 : i32
      %add3A_264 = vector.broadcast %add3A_263 : i32 to vector<16xi32>
      %add3A_265 = arith.addi %mul3A_60, %add3A_264 : vector<16xi32>
      %add3A_266 = arith.constant 5 : i32
      %add3A_267 = vector.broadcast %add3A_266 : i32 to vector<16xi32>
      %add3A_268 = arith.addi %mul3A_60, %add3A_267 : vector<16xi32>
      %gather3A_269 = tpu.vector_load_idx %arg12[%add3A_265, %add3A_268, %add3A_57] : memref<2x8x2048xf32, #tpu.memory_space<vmem>>[vector<16xi32>, vector<16xi32>, vector<16xi32>], vector<16xf32>,
      %add3A_270 = arith.constant 1 : i32
      %add3A_271 = vector.broadcast %add3A_270 : i32 to vector<16xi32>
      %add3A_272 = arith.addi %mul3A_60, %add3A_271 : vector<16xi32>
      %add3A_273 = arith.constant 6 : i32
      %add3A_274 = vector.broadcast %add3A_273 : i32 to vector<16xi32>
      %add3A_275 = arith.addi %mul3A_60, %add3A_274 : vector<16xi32>
      %gather3A_276 = tpu.vector_load_idx %arg12[%add3A_272, %add3A_275, %add3A_57] : memref<2x8x2048xf32, #tpu.memory_space<vmem>>[vector<16xi32>, vector<16xi32>, vector<16xi32>], vector<16xf32>,
      %add3A_277 = arith.constant 1 : i32
      %add3A_278 = vector.broadcast %add3A_277 : i32 to vector<16xi32>
      %add3A_279 = arith.addi %mul3A_60, %add3A_278 : vector<16xi32>
      %add3A_280 = arith.constant 7 : i32
      %add3A_281 = vector.broadcast %add3A_280 : i32 to vector<16xi32>
      %add3A_282 = arith.addi %mul3A_60, %add3A_281 : vector<16xi32>
      %gather3A_283 = tpu.vector_load_idx %arg12[%add3A_279, %add3A_282, %add3A_57] : memref<2x8x2048xf32, #tpu.memory_space<vmem>>[vector<16xi32>, vector<16xi32>, vector<16xi32>], vector<16xf32>,
      %broadcast_in_dim3A = arith.constant 0.000000e+00 : f32
      %broadcast_in_dim3A_284 = vector.broadcast %broadcast_in_dim3A : f32 to vector<16xf32>
      %get3A_285 = arith.constant 0 : index
      %get3A_286 = tpu.vector_load %arg10[%get3A_285] {strides = array<i32>} : memref<4096xf32, #tpu.memory_space<vmem>>, vector<16xf32>,
      %mul3A_287 = arith.mulf %get3A_286, %gather3A_178 : vector<16xf32>
      %get3A_288 = arith.constant 16 : index
      %get3A_289 = tpu.vector_load %arg10[%get3A_288] {strides = array<i32>} : memref<4096xf32, #tpu.memory_space<vmem>>, vector<16xf32>,
      %mul3A_290 = arith.mulf %get3A_289, %gather3A_185 : vector<16xf32>
      %add3A_291 = arith.addf %mul3A_287, %mul3A_290 : vector<16xf32>
      %get3A_292 = arith.constant 32 : index
      %get3A_293 = tpu.vector_load %arg10[%get3A_292] {strides = array<i32>} : memref<4096xf32, #tpu.memory_space<vmem>>, vector<16xf32>,
      %mul3A_294 = arith.mulf %get3A_293, %gather3A_192 : vector<16xf32>
      %add3A_295 = arith.addf %add3A_291, %mul3A_294 : vector<16xf32>
      %get3A_296 = arith.constant 48 : index
      %get3A_297 = tpu.vector_load %arg10[%get3A_296] {strides = array<i32>} : memref<4096xf32, #tpu.memory_space<vmem>>, vector<16xf32>,
      %mul3A_298 = arith.mulf %get3A_297, %gather3A_199 : vector<16xf32>
      %add3A_299 = arith.addf %add3A_295, %mul3A_298 : vector<16xf32>
      %get3A_300 = arith.constant 64 : index
      %get3A_301 = tpu.vector_load %arg10[%get3A_300] {strides = array<i32>} : memref<4096xf32, #tpu.memory_space<vmem>>, vector<16xf32>,
      %mul3A_302 = arith.mulf %get3A_301, %gather3A_206 : vector<16xf32>
      %add3A_303 = arith.addf %add3A_299, %mul3A_302 : vector<16xf32>
      %get3A_304 = arith.constant 80 : index
      %get3A_305 = tpu.vector_load %arg10[%get3A_304] {strides = array<i32>} : memref<4096xf32, #tpu.memory_space<vmem>>, vector<16xf32>,
      %mul3A_306 = arith.mulf %get3A_305, %gather3A_213 : vector<16xf32>
      %add3A_307 = arith.addf %add3A_303, %mul3A_306 : vector<16xf32>
      %get3A_308 = arith.constant 96 : index
      %get3A_309 = tpu.vector_load %arg10[%get3A_308] {strides = array<i32>} : memref<4096xf32, #tpu.memory_space<vmem>>, vector<16xf32>,
      %mul3A_310 = arith.mulf %get3A_309, %gather3A_220 : vector<16xf32>
      %add3A_311 = arith.addf %add3A_307, %mul3A_310 : vector<16xf32>
      %get3A_312 = arith.constant 112 : index
      %get3A_313 = tpu.vector_load %arg10[%get3A_312] {strides = array<i32>} : memref<4096xf32, #tpu.memory_space<vmem>>, vector<16xf32>,
      %mul3A_314 = arith.mulf %get3A_313, %gather3A_227 : vector<16xf32>
      %add3A_315 = arith.addf %add3A_311, %mul3A_314 : vector<16xf32>
      %get3A_316 = arith.constant 128 : index
      %get3A_317 = tpu.vector_load %arg10[%get3A_316] {strides = array<i32>} : memref<4096xf32, #tpu.memory_space<vmem>>, vector<16xf32>,
      %mul3A_318 = arith.mulf %get3A_317, %gather3A_234 : vector<16xf32>
      %add3A_319 = arith.addf %add3A_315, %mul3A_318 : vector<16xf32>
      %get3A_320 = arith.constant 144 : index
      %get3A_321 = tpu.vector_load %arg10[%get3A_320] {strides = array<i32>} : memref<4096xf32, #tpu.memory_space<vmem>>, vector<16xf32>,
      %mul3A_322 = arith.mulf %get3A_321, %gather3A_241 : vector<16xf32>
      %add3A_323 = arith.addf %add3A_319, %mul3A_322 : vector<16xf32>
      %get3A_324 = arith.constant 160 : index
      %get3A_325 = tpu.vector_load %arg10[%get3A_324] {strides = array<i32>} : memref<4096xf32, #tpu.memory_space<vmem>>, vector<16xf32>,
      %mul3A_326 = arith.mulf %get3A_325, %gather3A_248 : vector<16xf32>
      %add3A_327 = arith.addf %add3A_323, %mul3A_326 : vector<16xf32>
      %get3A_328 = arith.constant 176 : index
      %get3A_329 = tpu.vector_load %arg10[%get3A_328] {strides = array<i32>} : memref<4096xf32, #tpu.memory_space<vmem>>, vector<16xf32>,
      %mul3A_330 = arith.mulf %get3A_329, %gather3A_255 : vector<16xf32>
      %add3A_331 = arith.addf %add3A_327, %mul3A_330 : vector<16xf32>
      %get3A_332 = arith.constant 192 : index
      %get3A_333 = tpu.vector_load %arg10[%get3A_332] {strides = array<i32>} : memref<4096xf32, #tpu.memory_space<vmem>>, vector<16xf32>,
      %mul3A_334 = arith.mulf %get3A_333, %gather3A_262 : vector<16xf32>
      %add3A_335 = arith.addf %add3A_331, %mul3A_334 : vector<16xf32>
      %get3A_336 = arith.constant 208 : index
      %get3A_337 = tpu.vector_load %arg10[%get3A_336] {strides = array<i32>} : memref<4096xf32, #tpu.memory_space<vmem>>, vector<16xf32>,
      %mul3A_338 = arith.mulf %get3A_337, %gather3A_269 : vector<16xf32>
      %add3A_339 = arith.addf %add3A_335, %mul3A_338 : vector<16xf32>
      %get3A_340 = arith.constant 224 : index
      %get3A_341 = tpu.vector_load %arg10[%get3A_340] {strides = array<i32>} : memref<4096xf32, #tpu.memory_space<vmem>>, vector<16xf32>,
      %mul3A_342 = arith.mulf %get3A_341, %gather3A_276 : vector<16xf32>
      %add3A_343 = arith.addf %add3A_339, %mul3A_342 : vector<16xf32>
      %get3A_344 = arith.constant 240 : index
      %get3A_345 = tpu.vector_load %arg10[%get3A_344] {strides = array<i32>} : memref<4096xf32, #tpu.memory_space<vmem>>, vector<16xf32>,
      %mul3A_346 = arith.mulf %get3A_345, %gather3A_283 : vector<16xf32>
      %add3A_347 = arith.addf %add3A_343, %mul3A_346 : vector<16xf32>
      %mul3A_348 = arith.mulf %gather3A, %add3A_347 : vector<16xf32>
      %add3A_349 = arith.addf %broadcast_in_dim3A_284, %mul3A_348 : vector<16xf32>
      %get3A_350 = arith.constant 256 : index
      %get3A_351 = tpu.vector_load %arg10[%get3A_350] {strides = array<i32>} : memref<4096xf32, #tpu.memory_space<vmem>>, vector<16xf32>,
      %mul3A_352 = arith.mulf %get3A_351, %gather3A_178 : vector<16xf32>
      %get3A_353 = arith.constant 272 : index
      %get3A_354 = tpu.vector_load %arg10[%get3A_353] {strides = array<i32>} : memref<4096xf32, #tpu.memory_space<vmem>>, vector<16xf32>,
      %mul3A_355 = arith.mulf %get3A_354, %gather3A_185 : vector<16xf32>
      %add3A_356 = arith.addf %mul3A_352, %mul3A_355 : vector<16xf32>
      %get3A_357 = arith.constant 288 : index
      %get3A_358 = tpu.vector_load %arg10[%get3A_357] {strides = array<i32>} : memref<4096xf32, #tpu.memory_space<vmem>>, vector<16xf32>,
      %mul3A_359 = arith.mulf %get3A_358, %gather3A_192 : vector<16xf32>
      %add3A_360 = arith.addf %add3A_356, %mul3A_359 : vector<16xf32>
      %get3A_361 = arith.constant 304 : index
      %get3A_362 = tpu.vector_load %arg10[%get3A_361] {strides = array<i32>} : memref<4096xf32, #tpu.memory_space<vmem>>, vector<16xf32>,
      %mul3A_363 = arith.mulf %get3A_362, %gather3A_199 : vector<16xf32>
      %add3A_364 = arith.addf %add3A_360, %mul3A_363 : vector<16xf32>
      %get3A_365 = arith.constant 320 : index
      %get3A_366 = tpu.vector_load %arg10[%get3A_365] {strides = array<i32>} : memref<4096xf32, #tpu.memory_space<vmem>>, vector<16xf32>,
      %mul3A_367 = arith.mulf %get3A_366, %gather3A_206 : vector<16xf32>
      %add3A_368 = arith.addf %add3A_364, %mul3A_367 : vector<16xf32>
      %get3A_369 = arith.constant 336 : index
      %get3A_370 = tpu.vector_load %arg10[%get3A_369] {strides = array<i32>} : memref<4096xf32, #tpu.memory_space<vmem>>, vector<16xf32>,
      %mul3A_371 = arith.mulf %get3A_370, %gather3A_213 : vector<16xf32>
      %add3A_372 = arith.addf %add3A_368, %mul3A_371 : vector<16xf32>
      %get3A_373 = arith.constant 352 : index
      %get3A_374 = tpu.vector_load %arg10[%get3A_373] {strides = array<i32>} : memref<4096xf32, #tpu.memory_space<vmem>>, vector<16xf32>,
      %mul3A_375 = arith.mulf %get3A_374, %gather3A_220 : vector<16xf32>
      %add3A_376 = arith.addf %add3A_372, %mul3A_375 : vector<16xf32>
      %get3A_377 = arith.constant 368 : index
      %get3A_378 = tpu.vector_load %arg10[%get3A_377] {strides = array<i32>} : memref<4096xf32, #tpu.memory_space<vmem>>, vector<16xf32>,
      %mul3A_379 = arith.mulf %get3A_378, %gather3A_227 : vector<16xf32>
      %add3A_380 = arith.addf %add3A_376, %mul3A_379 : vector<16xf32>
      %get3A_381 = arith.constant 384 : index
      %get3A_382 = tpu.vector_load %arg10[%get3A_381] {strides = array<i32>} : memref<4096xf32, #tpu.memory_space<vmem>>, vector<16xf32>,
      %mul3A_383 = arith.mulf %get3A_382, %gather3A_234 : vector<16xf32>
      %add3A_384 = arith.addf %add3A_380, %mul3A_383 : vector<16xf32>
      %get3A_385 = arith.constant 400 : index
      %get3A_386 = tpu.vector_load %arg10[%get3A_385] {strides = array<i32>} : memref<4096xf32, #tpu.memory_space<vmem>>, vector<16xf32>,
      %mul3A_387 = arith.mulf %get3A_386, %gather3A_241 : vector<16xf32>
      %add3A_388 = arith.addf %add3A_384, %mul3A_387 : vector<16xf32>
      %get3A_389 = arith.constant 416 : index
      %get3A_390 = tpu.vector_load %arg10[%get3A_389] {strides = array<i32>} : memref<4096xf32, #tpu.memory_space<vmem>>, vector<16xf32>,
      %mul3A_391 = arith.mulf %get3A_390, %gather3A_248 : vector<16xf32>
      %add3A_392 = arith.addf %add3A_388, %mul3A_391 : vector<16xf32>
      %get3A_393 = arith.constant 432 : index
      %get3A_394 = tpu.vector_load %arg10[%get3A_393] {strides = array<i32>} : memref<4096xf32, #tpu.memory_space<vmem>>, vector<16xf32>,
      %mul3A_395 = arith.mulf %get3A_394, %gather3A_255 : vector<16xf32>
      %add3A_396 = arith.addf %add3A_392, %mul3A_395 : vector<16xf32>
      %get3A_397 = arith.constant 448 : index
      %get3A_398 = tpu.vector_load %arg10[%get3A_397] {strides = array<i32>} : memref<4096xf32, #tpu.memory_space<vmem>>, vector<16xf32>,
      %mul3A_399 = arith.mulf %get3A_398, %gather3A_262 : vector<16xf32>
      %add3A_400 = arith.addf %add3A_396, %mul3A_399 : vector<16xf32>
      %get3A_401 = arith.constant 464 : index
      %get3A_402 = tpu.vector_load %arg10[%get3A_401] {strides = array<i32>} : memref<4096xf32, #tpu.memory_space<vmem>>, vector<16xf32>,
      %mul3A_403 = arith.mulf %get3A_402, %gather3A_269 : vector<16xf32>
      %add3A_404 = arith.addf %add3A_400, %mul3A_403 : vector<16xf32>
      %get3A_405 = arith.constant 480 : index
      %get3A_406 = tpu.vector_load %arg10[%get3A_405] {strides = array<i32>} : memref<4096xf32, #tpu.memory_space<vmem>>, vector<16xf32>,
      %mul3A_407 = arith.mulf %get3A_406, %gather3A_276 : vector<16xf32>
      %add3A_408 = arith.addf %add3A_404, %mul3A_407 : vector<16xf32>
      %get3A_409 = arith.constant 496 : index
      %get3A_410 = tpu.vector_load %arg10[%get3A_409] {strides = array<i32>} : memref<4096xf32, #tpu.memory_space<vmem>>, vector<16xf32>,
      %mul3A_411 = arith.mulf %get3A_410, %gather3A_283 : vector<16xf32>
      %add3A_412 = arith.addf %add3A_408, %mul3A_411 : vector<16xf32>
      %mul3A_413 = arith.mulf %gather3A_73, %add3A_412 : vector<16xf32>
      %add3A_414 = arith.addf %add3A_349, %mul3A_413 : vector<16xf32>
      %get3A_415 = arith.constant 512 : index
      %get3A_416 = tpu.vector_load %arg10[%get3A_415] {strides = array<i32>} : memref<4096xf32, #tpu.memory_space<vmem>>, vector<16xf32>,
      %mul3A_417 = arith.mulf %get3A_416, %gather3A_178 : vector<16xf32>
      %get3A_418 = arith.constant 528 : index
      %get3A_419 = tpu.vector_load %arg10[%get3A_418] {strides = array<i32>} : memref<4096xf32, #tpu.memory_space<vmem>>, vector<16xf32>,
      %mul3A_420 = arith.mulf %get3A_419, %gather3A_185 : vector<16xf32>
      %add3A_421 = arith.addf %mul3A_417, %mul3A_420 : vector<16xf32>
      %get3A_422 = arith.constant 544 : index
      %get3A_423 = tpu.vector_load %arg10[%get3A_422] {strides = array<i32>} : memref<4096xf32, #tpu.memory_space<vmem>>, vector<16xf32>,
      %mul3A_424 = arith.mulf %get3A_423, %gather3A_192 : vector<16xf32>
      %add3A_425 = arith.addf %add3A_421, %mul3A_424 : vector<16xf32>
      %get3A_426 = arith.constant 560 : index
      %get3A_427 = tpu.vector_load %arg10[%get3A_426] {strides = array<i32>} : memref<4096xf32, #tpu.memory_space<vmem>>, vector<16xf32>,
      %mul3A_428 = arith.mulf %get3A_427, %gather3A_199 : vector<16xf32>
      %add3A_429 = arith.addf %add3A_425, %mul3A_428 : vector<16xf32>
      %get3A_430 = arith.constant 576 : index
      %get3A_431 = tpu.vector_load %arg10[%get3A_430] {strides = array<i32>} : memref<4096xf32, #tpu.memory_space<vmem>>, vector<16xf32>,
      %mul3A_432 = arith.mulf %get3A_431, %gather3A_206 : vector<16xf32>
      %add3A_433 = arith.addf %add3A_429, %mul3A_432 : vector<16xf32>
      %get3A_434 = arith.constant 592 : index
      %get3A_435 = tpu.vector_load %arg10[%get3A_434] {strides = array<i32>} : memref<4096xf32, #tpu.memory_space<vmem>>, vector<16xf32>,
      %mul3A_436 = arith.mulf %get3A_435, %gather3A_213 : vector<16xf32>
      %add3A_437 = arith.addf %add3A_433, %mul3A_436 : vector<16xf32>
      %get3A_438 = arith.constant 608 : index
      %get3A_439 = tpu.vector_load %arg10[%get3A_438] {strides = array<i32>} : memref<4096xf32, #tpu.memory_space<vmem>>, vector<16xf32>,
      %mul3A_440 = arith.mulf %get3A_439, %gather3A_220 : vector<16xf32>
      %add3A_441 = arith.addf %add3A_437, %mul3A_440 : vector<16xf32>
      %get3A_442 = arith.constant 624 : index
      %get3A_443 = tpu.vector_load %arg10[%get3A_442] {strides = array<i32>} : memref<4096xf32, #tpu.memory_space<vmem>>, vector<16xf32>,
      %mul3A_444 = arith.mulf %get3A_443, %gather3A_227 : vector<16xf32>
      %add3A_445 = arith.addf %add3A_441, %mul3A_444 : vector<16xf32>
      %get3A_446 = arith.constant 640 : index
      %get3A_447 = tpu.vector_load %arg10[%get3A_446] {strides = array<i32>} : memref<4096xf32, #tpu.memory_space<vmem>>, vector<16xf32>,
      %mul3A_448 = arith.mulf %get3A_447, %gather3A_234 : vector<16xf32>
      %add3A_449 = arith.addf %add3A_445, %mul3A_448 : vector<16xf32>
      %get3A_450 = arith.constant 656 : index
      %get3A_451 = tpu.vector_load %arg10[%get3A_450] {strides = array<i32>} : memref<4096xf32, #tpu.memory_space<vmem>>, vector<16xf32>,
      %mul3A_452 = arith.mulf %get3A_451, %gather3A_241 : vector<16xf32>
      %add3A_453 = arith.addf %add3A_449, %mul3A_452 : vector<16xf32>
      %get3A_454 = arith.constant 672 : index
      %get3A_455 = tpu.vector_load %arg10[%get3A_454] {strides = array<i32>} : memref<4096xf32, #tpu.memory_space<vmem>>, vector<16xf32>,
      %mul3A_456 = arith.mulf %get3A_455, %gather3A_248 : vector<16xf32>
      %add3A_457 = arith.addf %add3A_453, %mul3A_456 : vector<16xf32>
      %get3A_458 = arith.constant 688 : index
      %get3A_459 = tpu.vector_load %arg10[%get3A_458] {strides = array<i32>} : memref<4096xf32, #tpu.memory_space<vmem>>, vector<16xf32>,
      %mul3A_460 = arith.mulf %get3A_459, %gather3A_255 : vector<16xf32>
      %add3A_461 = arith.addf %add3A_457, %mul3A_460 : vector<16xf32>
      %get3A_462 = arith.constant 704 : index
      %get3A_463 = tpu.vector_load %arg10[%get3A_462] {strides = array<i32>} : memref<4096xf32, #tpu.memory_space<vmem>>, vector<16xf32>,
      %mul3A_464 = arith.mulf %get3A_463, %gather3A_262 : vector<16xf32>
      %add3A_465 = arith.addf %add3A_461, %mul3A_464 : vector<16xf32>
      %get3A_466 = arith.constant 720 : index
      %get3A_467 = tpu.vector_load %arg10[%get3A_466] {strides = array<i32>} : memref<4096xf32, #tpu.memory_space<vmem>>, vector<16xf32>,
      %mul3A_468 = arith.mulf %get3A_467, %gather3A_269 : vector<16xf32>
      %add3A_469 = arith.addf %add3A_465, %mul3A_468 : vector<16xf32>
      %get3A_470 = arith.constant 736 : index
      %get3A_471 = tpu.vector_load %arg10[%get3A_470] {strides = array<i32>} : memref<4096xf32, #tpu.memory_space<vmem>>, vector<16xf32>,
      %mul3A_472 = arith.mulf %get3A_471, %gather3A_276 : vector<16xf32>
      %add3A_473 = arith.addf %add3A_469, %mul3A_472 : vector<16xf32>
      %get3A_474 = arith.constant 752 : index
      %get3A_475 = tpu.vector_load %arg10[%get3A_474] {strides = array<i32>} : memref<4096xf32, #tpu.memory_space<vmem>>, vector<16xf32>,
      %mul3A_476 = arith.mulf %get3A_475, %gather3A_283 : vector<16xf32>
      %add3A_477 = arith.addf %add3A_473, %mul3A_476 : vector<16xf32>
      %mul3A_478 = arith.mulf %gather3A_80, %add3A_477 : vector<16xf32>
      %add3A_479 = arith.addf %add3A_414, %mul3A_478 : vector<16xf32>
      %get3A_480 = arith.constant 768 : index
      %get3A_481 = tpu.vector_load %arg10[%get3A_480] {strides = array<i32>} : memref<4096xf32, #tpu.memory_space<vmem>>, vector<16xf32>,
      %mul3A_482 = arith.mulf %get3A_481, %gather3A_178 : vector<16xf32>
      %get3A_483 = arith.constant 784 : index
      %get3A_484 = tpu.vector_load %arg10[%get3A_483] {strides = array<i32>} : memref<4096xf32, #tpu.memory_space<vmem>>, vector<16xf32>,
      %mul3A_485 = arith.mulf %get3A_484, %gather3A_185 : vector<16xf32>
      %add3A_486 = arith.addf %mul3A_482, %mul3A_485 : vector<16xf32>
      %get3A_487 = arith.constant 800 : index
      %get3A_488 = tpu.vector_load %arg10[%get3A_487] {strides = array<i32>} : memref<4096xf32, #tpu.memory_space<vmem>>, vector<16xf32>,
      %mul3A_489 = arith.mulf %get3A_488, %gather3A_192 : vector<16xf32>
      %add3A_490 = arith.addf %add3A_486, %mul3A_489 : vector<16xf32>
      %get3A_491 = arith.constant 816 : index
      %get3A_492 = tpu.vector_load %arg10[%get3A_491] {strides = array<i32>} : memref<4096xf32, #tpu.memory_space<vmem>>, vector<16xf32>,
      %mul3A_493 = arith.mulf %get3A_492, %gather3A_199 : vector<16xf32>
      %add3A_494 = arith.addf %add3A_490, %mul3A_493 : vector<16xf32>
      %get3A_495 = arith.constant 832 : index
      %get3A_496 = tpu.vector_load %arg10[%get3A_495] {strides = array<i32>} : memref<4096xf32, #tpu.memory_space<vmem>>, vector<16xf32>,
      %mul3A_497 = arith.mulf %get3A_496, %gather3A_206 : vector<16xf32>
      %add3A_498 = arith.addf %add3A_494, %mul3A_497 : vector<16xf32>
      %get3A_499 = arith.constant 848 : index
      %get3A_500 = tpu.vector_load %arg10[%get3A_499] {strides = array<i32>} : memref<4096xf32, #tpu.memory_space<vmem>>, vector<16xf32>,
      %mul3A_501 = arith.mulf %get3A_500, %gather3A_213 : vector<16xf32>
      %add3A_502 = arith.addf %add3A_498, %mul3A_501 : vector<16xf32>
      %get3A_503 = arith.constant 864 : index
      %get3A_504 = tpu.vector_load %arg10[%get3A_503] {strides = array<i32>} : memref<4096xf32, #tpu.memory_space<vmem>>, vector<16xf32>,
      %mul3A_505 = arith.mulf %get3A_504, %gather3A_220 : vector<16xf32>
      %add3A_506 = arith.addf %add3A_502, %mul3A_505 : vector<16xf32>
      %get3A_507 = arith.constant 880 : index
      %get3A_508 = tpu.vector_load %arg10[%get3A_507] {strides = array<i32>} : memref<4096xf32, #tpu.memory_space<vmem>>, vector<16xf32>,
      %mul3A_509 = arith.mulf %get3A_508, %gather3A_227 : vector<16xf32>
      %add3A_510 = arith.addf %add3A_506, %mul3A_509 : vector<16xf32>
      %get3A_511 = arith.constant 896 : index
      %get3A_512 = tpu.vector_load %arg10[%get3A_511] {strides = array<i32>} : memref<4096xf32, #tpu.memory_space<vmem>>, vector<16xf32>,
      %mul3A_513 = arith.mulf %get3A_512, %gather3A_234 : vector<16xf32>
      %add3A_514 = arith.addf %add3A_510, %mul3A_513 : vector<16xf32>
      %get3A_515 = arith.constant 912 : index
      %get3A_516 = tpu.vector_load %arg10[%get3A_515] {strides = array<i32>} : memref<4096xf32, #tpu.memory_space<vmem>>, vector<16xf32>,
      %mul3A_517 = arith.mulf %get3A_516, %gather3A_241 : vector<16xf32>
      %add3A_518 = arith.addf %add3A_514, %mul3A_517 : vector<16xf32>
      %get3A_519 = arith.constant 928 : index
      %get3A_520 = tpu.vector_load %arg10[%get3A_519] {strides = array<i32>} : memref<4096xf32, #tpu.memory_space<vmem>>, vector<16xf32>,
      %mul3A_521 = arith.mulf %get3A_520, %gather3A_248 : vector<16xf32>
      %add3A_522 = arith.addf %add3A_518, %mul3A_521 : vector<16xf32>
      %get3A_523 = arith.constant 944 : index
      %get3A_524 = tpu.vector_load %arg10[%get3A_523] {strides = array<i32>} : memref<4096xf32, #tpu.memory_space<vmem>>, vector<16xf32>,
      %mul3A_525 = arith.mulf %get3A_524, %gather3A_255 : vector<16xf32>
      %add3A_526 = arith.addf %add3A_522, %mul3A_525 : vector<16xf32>
      %get3A_527 = arith.constant 960 : index
      %get3A_528 = tpu.vector_load %arg10[%get3A_527] {strides = array<i32>} : memref<4096xf32, #tpu.memory_space<vmem>>, vector<16xf32>,
      %mul3A_529 = arith.mulf %get3A_528, %gather3A_262 : vector<16xf32>
      %add3A_530 = arith.addf %add3A_526, %mul3A_529 : vector<16xf32>
      %get3A_531 = arith.constant 976 : index
      %get3A_532 = tpu.vector_load %arg10[%get3A_531] {strides = array<i32>} : memref<4096xf32, #tpu.memory_space<vmem>>, vector<16xf32>,
      %mul3A_533 = arith.mulf %get3A_532, %gather3A_269 : vector<16xf32>
      %add3A_534 = arith.addf %add3A_530, %mul3A_533 : vector<16xf32>
      %get3A_535 = arith.constant 992 : index
      %get3A_536 = tpu.vector_load %arg10[%get3A_535] {strides = array<i32>} : memref<4096xf32, #tpu.memory_space<vmem>>, vector<16xf32>,
      %mul3A_537 = arith.mulf %get3A_536, %gather3A_276 : vector<16xf32>
      %add3A_538 = arith.addf %add3A_534, %mul3A_537 : vector<16xf32>
      %get3A_539 = arith.constant 1008 : index
      %get3A_540 = tpu.vector_load %arg10[%get3A_539] {strides = array<i32>} : memref<4096xf32, #tpu.memory_space<vmem>>, vector<16xf32>,
      %mul3A_541 = arith.mulf %get3A_540, %gather3A_283 : vector<16xf32>
      %add3A_542 = arith.addf %add3A_538, %mul3A_541 : vector<16xf32>
      %mul3A_543 = arith.mulf %gather3A_87, %add3A_542 : vector<16xf32>
      %add3A_544 = arith.addf %add3A_479, %mul3A_543 : vector<16xf32>
      %get3A_545 = arith.constant 1024 : index
      %get3A_546 = tpu.vector_load %arg10[%get3A_545] {strides = array<i32>} : memref<4096xf32, #tpu.memory_space<vmem>>, vector<16xf32>,
      %mul3A_547 = arith.mulf %get3A_546, %gather3A_178 : vector<16xf32>
      %get3A_548 = arith.constant 1040 : index
      %get3A_549 = tpu.vector_load %arg10[%get3A_548] {strides = array<i32>} : memref<4096xf32, #tpu.memory_space<vmem>>, vector<16xf32>,
      %mul3A_550 = arith.mulf %get3A_549, %gather3A_185 : vector<16xf32>
      %add3A_551 = arith.addf %mul3A_547, %mul3A_550 : vector<16xf32>
      %get3A_552 = arith.constant 1056 : index
      %get3A_553 = tpu.vector_load %arg10[%get3A_552] {strides = array<i32>} : memref<4096xf32, #tpu.memory_space<vmem>>, vector<16xf32>,
      %mul3A_554 = arith.mulf %get3A_553, %gather3A_192 : vector<16xf32>
      %add3A_555 = arith.addf %add3A_551, %mul3A_554 : vector<16xf32>
      %get3A_556 = arith.constant 1072 : index
      %get3A_557 = tpu.vector_load %arg10[%get3A_556] {strides = array<i32>} : memref<4096xf32, #tpu.memory_space<vmem>>, vector<16xf32>,
      %mul3A_558 = arith.mulf %get3A_557, %gather3A_199 : vector<16xf32>
      %add3A_559 = arith.addf %add3A_555, %mul3A_558 : vector<16xf32>
      %get3A_560 = arith.constant 1088 : index
      %get3A_561 = tpu.vector_load %arg10[%get3A_560] {strides = array<i32>} : memref<4096xf32, #tpu.memory_space<vmem>>, vector<16xf32>,
      %mul3A_562 = arith.mulf %get3A_561, %gather3A_206 : vector<16xf32>
      %add3A_563 = arith.addf %add3A_559, %mul3A_562 : vector<16xf32>
      %get3A_564 = arith.constant 1104 : index
      %get3A_565 = tpu.vector_load %arg10[%get3A_564] {strides = array<i32>} : memref<4096xf32, #tpu.memory_space<vmem>>, vector<16xf32>,
      %mul3A_566 = arith.mulf %get3A_565, %gather3A_213 : vector<16xf32>
      %add3A_567 = arith.addf %add3A_563, %mul3A_566 : vector<16xf32>
      %get3A_568 = arith.constant 1120 : index
      %get3A_569 = tpu.vector_load %arg10[%get3A_568] {strides = array<i32>} : memref<4096xf32, #tpu.memory_space<vmem>>, vector<16xf32>,
      %mul3A_570 = arith.mulf %get3A_569, %gather3A_220 : vector<16xf32>
      %add3A_571 = arith.addf %add3A_567, %mul3A_570 : vector<16xf32>
      %get3A_572 = arith.constant 1136 : index
      %get3A_573 = tpu.vector_load %arg10[%get3A_572] {strides = array<i32>} : memref<4096xf32, #tpu.memory_space<vmem>>, vector<16xf32>,
      %mul3A_574 = arith.mulf %get3A_573, %gather3A_227 : vector<16xf32>
      %add3A_575 = arith.addf %add3A_571, %mul3A_574 : vector<16xf32>
      %get3A_576 = arith.constant 1152 : index
      %get3A_577 = tpu.vector_load %arg10[%get3A_576] {strides = array<i32>} : memref<4096xf32, #tpu.memory_space<vmem>>, vector<16xf32>,
      %mul3A_578 = arith.mulf %get3A_577, %gather3A_234 : vector<16xf32>
      %add3A_579 = arith.addf %add3A_575, %mul3A_578 : vector<16xf32>
      %get3A_580 = arith.constant 1168 : index
      %get3A_581 = tpu.vector_load %arg10[%get3A_580] {strides = array<i32>} : memref<4096xf32, #tpu.memory_space<vmem>>, vector<16xf32>,
      %mul3A_582 = arith.mulf %get3A_581, %gather3A_241 : vector<16xf32>
      %add3A_583 = arith.addf %add3A_579, %mul3A_582 : vector<16xf32>
      %get3A_584 = arith.constant 1184 : index
      %get3A_585 = tpu.vector_load %arg10[%get3A_584] {strides = array<i32>} : memref<4096xf32, #tpu.memory_space<vmem>>, vector<16xf32>,
      %mul3A_586 = arith.mulf %get3A_585, %gather3A_248 : vector<16xf32>
      %add3A_587 = arith.addf %add3A_583, %mul3A_586 : vector<16xf32>
      %get3A_588 = arith.constant 1200 : index
      %get3A_589 = tpu.vector_load %arg10[%get3A_588] {strides = array<i32>} : memref<4096xf32, #tpu.memory_space<vmem>>, vector<16xf32>,
      %mul3A_590 = arith.mulf %get3A_589, %gather3A_255 : vector<16xf32>
      %add3A_591 = arith.addf %add3A_587, %mul3A_590 : vector<16xf32>
      %get3A_592 = arith.constant 1216 : index
      %get3A_593 = tpu.vector_load %arg10[%get3A_592] {strides = array<i32>} : memref<4096xf32, #tpu.memory_space<vmem>>, vector<16xf32>,
      %mul3A_594 = arith.mulf %get3A_593, %gather3A_262 : vector<16xf32>
      %add3A_595 = arith.addf %add3A_591, %mul3A_594 : vector<16xf32>
      %get3A_596 = arith.constant 1232 : index
      %get3A_597 = tpu.vector_load %arg10[%get3A_596] {strides = array<i32>} : memref<4096xf32, #tpu.memory_space<vmem>>, vector<16xf32>,
      %mul3A_598 = arith.mulf %get3A_597, %gather3A_269 : vector<16xf32>
      %add3A_599 = arith.addf %add3A_595, %mul3A_598 : vector<16xf32>
      %get3A_600 = arith.constant 1248 : index
      %get3A_601 = tpu.vector_load %arg10[%get3A_600] {strides = array<i32>} : memref<4096xf32, #tpu.memory_space<vmem>>, vector<16xf32>,
      %mul3A_602 = arith.mulf %get3A_601, %gather3A_276 : vector<16xf32>
      %add3A_603 = arith.addf %add3A_599, %mul3A_602 : vector<16xf32>
      %get3A_604 = arith.constant 1264 : index
      %get3A_605 = tpu.vector_load %arg10[%get3A_604] {strides = array<i32>} : memref<4096xf32, #tpu.memory_space<vmem>>, vector<16xf32>,
      %mul3A_606 = arith.mulf %get3A_605, %gather3A_283 : vector<16xf32>
      %add3A_607 = arith.addf %add3A_603, %mul3A_606 : vector<16xf32>
      %mul3A_608 = arith.mulf %gather3A_94, %add3A_607 : vector<16xf32>
      %add3A_609 = arith.addf %add3A_544, %mul3A_608 : vector<16xf32>
      %get3A_610 = arith.constant 1280 : index
      %get3A_611 = tpu.vector_load %arg10[%get3A_610] {strides = array<i32>} : memref<4096xf32, #tpu.memory_space<vmem>>, vector<16xf32>,
      %mul3A_612 = arith.mulf %get3A_611, %gather3A_178 : vector<16xf32>
      %get3A_613 = arith.constant 1296 : index
      %get3A_614 = tpu.vector_load %arg10[%get3A_613] {strides = array<i32>} : memref<4096xf32, #tpu.memory_space<vmem>>, vector<16xf32>,
      %mul3A_615 = arith.mulf %get3A_614, %gather3A_185 : vector<16xf32>
      %add3A_616 = arith.addf %mul3A_612, %mul3A_615 : vector<16xf32>
      %get3A_617 = arith.constant 1312 : index
      %get3A_618 = tpu.vector_load %arg10[%get3A_617] {strides = array<i32>} : memref<4096xf32, #tpu.memory_space<vmem>>, vector<16xf32>,
      %mul3A_619 = arith.mulf %get3A_618, %gather3A_192 : vector<16xf32>
      %add3A_620 = arith.addf %add3A_616, %mul3A_619 : vector<16xf32>
      %get3A_621 = arith.constant 1328 : index
      %get3A_622 = tpu.vector_load %arg10[%get3A_621] {strides = array<i32>} : memref<4096xf32, #tpu.memory_space<vmem>>, vector<16xf32>,
      %mul3A_623 = arith.mulf %get3A_622, %gather3A_199 : vector<16xf32>
      %add3A_624 = arith.addf %add3A_620, %mul3A_623 : vector<16xf32>
      %get3A_625 = arith.constant 1344 : index
      %get3A_626 = tpu.vector_load %arg10[%get3A_625] {strides = array<i32>} : memref<4096xf32, #tpu.memory_space<vmem>>, vector<16xf32>,
      %mul3A_627 = arith.mulf %get3A_626, %gather3A_206 : vector<16xf32>
      %add3A_628 = arith.addf %add3A_624, %mul3A_627 : vector<16xf32>
      %get3A_629 = arith.constant 1360 : index
      %get3A_630 = tpu.vector_load %arg10[%get3A_629] {strides = array<i32>} : memref<4096xf32, #tpu.memory_space<vmem>>, vector<16xf32>,
      %mul3A_631 = arith.mulf %get3A_630, %gather3A_213 : vector<16xf32>
      %add3A_632 = arith.addf %add3A_628, %mul3A_631 : vector<16xf32>
      %get3A_633 = arith.constant 1376 : index
      %get3A_634 = tpu.vector_load %arg10[%get3A_633] {strides = array<i32>} : memref<4096xf32, #tpu.memory_space<vmem>>, vector<16xf32>,
      %mul3A_635 = arith.mulf %get3A_634, %gather3A_220 : vector<16xf32>
      %add3A_636 = arith.addf %add3A_632, %mul3A_635 : vector<16xf32>
      %get3A_637 = arith.constant 1392 : index
      %get3A_638 = tpu.vector_load %arg10[%get3A_637] {strides = array<i32>} : memref<4096xf32, #tpu.memory_space<vmem>>, vector<16xf32>,
      %mul3A_639 = arith.mulf %get3A_638, %gather3A_227 : vector<16xf32>
      %add3A_640 = arith.addf %add3A_636, %mul3A_639 : vector<16xf32>
      %get3A_641 = arith.constant 1408 : index
      %get3A_642 = tpu.vector_load %arg10[%get3A_641] {strides = array<i32>} : memref<4096xf32, #tpu.memory_space<vmem>>, vector<16xf32>,
      %mul3A_643 = arith.mulf %get3A_642, %gather3A_234 : vector<16xf32>
      %add3A_644 = arith.addf %add3A_640, %mul3A_643 : vector<16xf32>
      %get3A_645 = arith.constant 1424 : index
      %get3A_646 = tpu.vector_load %arg10[%get3A_645] {strides = array<i32>} : memref<4096xf32, #tpu.memory_space<vmem>>, vector<16xf32>,
      %mul3A_647 = arith.mulf %get3A_646, %gather3A_241 : vector<16xf32>
      %add3A_648 = arith.addf %add3A_644, %mul3A_647 : vector<16xf32>
      %get3A_649 = arith.constant 1440 : index
      %get3A_650 = tpu.vector_load %arg10[%get3A_649] {strides = array<i32>} : memref<4096xf32, #tpu.memory_space<vmem>>, vector<16xf32>,
      %mul3A_651 = arith.mulf %get3A_650, %gather3A_248 : vector<16xf32>
      %add3A_652 = arith.addf %add3A_648, %mul3A_651 : vector<16xf32>
      %get3A_653 = arith.constant 1456 : index
      %get3A_654 = tpu.vector_load %arg10[%get3A_653] {strides = array<i32>} : memref<4096xf32, #tpu.memory_space<vmem>>, vector<16xf32>,
      %mul3A_655 = arith.mulf %get3A_654, %gather3A_255 : vector<16xf32>
      %add3A_656 = arith.addf %add3A_652, %mul3A_655 : vector<16xf32>
      %get3A_657 = arith.constant 1472 : index
      %get3A_658 = tpu.vector_load %arg10[%get3A_657] {strides = array<i32>} : memref<4096xf32, #tpu.memory_space<vmem>>, vector<16xf32>,
      %mul3A_659 = arith.mulf %get3A_658, %gather3A_262 : vector<16xf32>
      %add3A_660 = arith.addf %add3A_656, %mul3A_659 : vector<16xf32>
      %get3A_661 = arith.constant 1488 : index
      %get3A_662 = tpu.vector_load %arg10[%get3A_661] {strides = array<i32>} : memref<4096xf32, #tpu.memory_space<vmem>>, vector<16xf32>,
      %mul3A_663 = arith.mulf %get3A_662, %gather3A_269 : vector<16xf32>
      %add3A_664 = arith.addf %add3A_660, %mul3A_663 : vector<16xf32>
      %get3A_665 = arith.constant 1504 : index
      %get3A_666 = tpu.vector_load %arg10[%get3A_665] {strides = array<i32>} : memref<4096xf32, #tpu.memory_space<vmem>>, vector<16xf32>,
      %mul3A_667 = arith.mulf %get3A_666, %gather3A_276 : vector<16xf32>
      %add3A_668 = arith.addf %add3A_664, %mul3A_667 : vector<16xf32>
      %get3A_669 = arith.constant 1520 : index
      %get3A_670 = tpu.vector_load %arg10[%get3A_669] {strides = array<i32>} : memref<4096xf32, #tpu.memory_space<vmem>>, vector<16xf32>,
      %mul3A_671 = arith.mulf %get3A_670, %gather3A_283 : vector<16xf32>
      %add3A_672 = arith.addf %add3A_668, %mul3A_671 : vector<16xf32>
      %mul3A_673 = arith.mulf %gather3A_101, %add3A_672 : vector<16xf32>
      %add3A_674 = arith.addf %add3A_609, %mul3A_673 : vector<16xf32>
      %get3A_675 = arith.constant 1536 : index
      %get3A_676 = tpu.vector_load %arg10[%get3A_675] {strides = array<i32>} : memref<4096xf32, #tpu.memory_space<vmem>>, vector<16xf32>,
      %mul3A_677 = arith.mulf %get3A_676, %gather3A_178 : vector<16xf32>
      %get3A_678 = arith.constant 1552 : index
      %get3A_679 = tpu.vector_load %arg10[%get3A_678] {strides = array<i32>} : memref<4096xf32, #tpu.memory_space<vmem>>, vector<16xf32>,
      %mul3A_680 = arith.mulf %get3A_679, %gather3A_185 : vector<16xf32>
      %add3A_681 = arith.addf %mul3A_677, %mul3A_680 : vector<16xf32>
      %get3A_682 = arith.constant 1568 : index
      %get3A_683 = tpu.vector_load %arg10[%get3A_682] {strides = array<i32>} : memref<4096xf32, #tpu.memory_space<vmem>>, vector<16xf32>,
      %mul3A_684 = arith.mulf %get3A_683, %gather3A_192 : vector<16xf32>
      %add3A_685 = arith.addf %add3A_681, %mul3A_684 : vector<16xf32>
      %get3A_686 = arith.constant 1584 : index
      %get3A_687 = tpu.vector_load %arg10[%get3A_686] {strides = array<i32>} : memref<4096xf32, #tpu.memory_space<vmem>>, vector<16xf32>,
      %mul3A_688 = arith.mulf %get3A_687, %gather3A_199 : vector<16xf32>
      %add3A_689 = arith.addf %add3A_685, %mul3A_688 : vector<16xf32>
      %get3A_690 = arith.constant 1600 : index
      %get3A_691 = tpu.vector_load %arg10[%get3A_690] {strides = array<i32>} : memref<4096xf32, #tpu.memory_space<vmem>>, vector<16xf32>,
      %mul3A_692 = arith.mulf %get3A_691, %gather3A_206 : vector<16xf32>
      %add3A_693 = arith.addf %add3A_689, %mul3A_692 : vector<16xf32>
      %get3A_694 = arith.constant 1616 : index
      %get3A_695 = tpu.vector_load %arg10[%get3A_694] {strides = array<i32>} : memref<4096xf32, #tpu.memory_space<vmem>>, vector<16xf32>,
      %mul3A_696 = arith.mulf %get3A_695, %gather3A_213 : vector<16xf32>
      %add3A_697 = arith.addf %add3A_693, %mul3A_696 : vector<16xf32>
      %get3A_698 = arith.constant 1632 : index
      %get3A_699 = tpu.vector_load %arg10[%get3A_698] {strides = array<i32>} : memref<4096xf32, #tpu.memory_space<vmem>>, vector<16xf32>,
      %mul3A_700 = arith.mulf %get3A_699, %gather3A_220 : vector<16xf32>
      %add3A_701 = arith.addf %add3A_697, %mul3A_700 : vector<16xf32>
      %get3A_702 = arith.constant 1648 : index
      %get3A_703 = tpu.vector_load %arg10[%get3A_702] {strides = array<i32>} : memref<4096xf32, #tpu.memory_space<vmem>>, vector<16xf32>,
      %mul3A_704 = arith.mulf %get3A_703, %gather3A_227 : vector<16xf32>
      %add3A_705 = arith.addf %add3A_701, %mul3A_704 : vector<16xf32>
      %get3A_706 = arith.constant 1664 : index
      %get3A_707 = tpu.vector_load %arg10[%get3A_706] {strides = array<i32>} : memref<4096xf32, #tpu.memory_space<vmem>>, vector<16xf32>,
      %mul3A_708 = arith.mulf %get3A_707, %gather3A_234 : vector<16xf32>
      %add3A_709 = arith.addf %add3A_705, %mul3A_708 : vector<16xf32>
      %get3A_710 = arith.constant 1680 : index
      %get3A_711 = tpu.vector_load %arg10[%get3A_710] {strides = array<i32>} : memref<4096xf32, #tpu.memory_space<vmem>>, vector<16xf32>,
      %mul3A_712 = arith.mulf %get3A_711, %gather3A_241 : vector<16xf32>
      %add3A_713 = arith.addf %add3A_709, %mul3A_712 : vector<16xf32>
      %get3A_714 = arith.constant 1696 : index
      %get3A_715 = tpu.vector_load %arg10[%get3A_714] {strides = array<i32>} : memref<4096xf32, #tpu.memory_space<vmem>>, vector<16xf32>,
      %mul3A_716 = arith.mulf %get3A_715, %gather3A_248 : vector<16xf32>
      %add3A_717 = arith.addf %add3A_713, %mul3A_716 : vector<16xf32>
      %get3A_718 = arith.constant 1712 : index
      %get3A_719 = tpu.vector_load %arg10[%get3A_718] {strides = array<i32>} : memref<4096xf32, #tpu.memory_space<vmem>>, vector<16xf32>,
      %mul3A_720 = arith.mulf %get3A_719, %gather3A_255 : vector<16xf32>
      %add3A_721 = arith.addf %add3A_717, %mul3A_720 : vector<16xf32>
      %get3A_722 = arith.constant 1728 : index
      %get3A_723 = tpu.vector_load %arg10[%get3A_722] {strides = array<i32>} : memref<4096xf32, #tpu.memory_space<vmem>>, vector<16xf32>,
      %mul3A_724 = arith.mulf %get3A_723, %gather3A_262 : vector<16xf32>
      %add3A_725 = arith.addf %add3A_721, %mul3A_724 : vector<16xf32>
      %get3A_726 = arith.constant 1744 : index
      %get3A_727 = tpu.vector_load %arg10[%get3A_726] {strides = array<i32>} : memref<4096xf32, #tpu.memory_space<vmem>>, vector<16xf32>,
      %mul3A_728 = arith.mulf %get3A_727, %gather3A_269 : vector<16xf32>
      %add3A_729 = arith.addf %add3A_725, %mul3A_728 : vector<16xf32>
      %get3A_730 = arith.constant 1760 : index
      %get3A_731 = tpu.vector_load %arg10[%get3A_730] {strides = array<i32>} : memref<4096xf32, #tpu.memory_space<vmem>>, vector<16xf32>,
      %mul3A_732 = arith.mulf %get3A_731, %gather3A_276 : vector<16xf32>
      %add3A_733 = arith.addf %add3A_729, %mul3A_732 : vector<16xf32>
      %get3A_734 = arith.constant 1776 : index
      %get3A_735 = tpu.vector_load %arg10[%get3A_734] {strides = array<i32>} : memref<4096xf32, #tpu.memory_space<vmem>>, vector<16xf32>,
      %mul3A_736 = arith.mulf %get3A_735, %gather3A_283 : vector<16xf32>
      %add3A_737 = arith.addf %add3A_733, %mul3A_736 : vector<16xf32>
      %mul3A_738 = arith.mulf %gather3A_108, %add3A_737 : vector<16xf32>
      %add3A_739 = arith.addf %add3A_674, %mul3A_738 : vector<16xf32>
      %get3A_740 = arith.constant 1792 : index
      %get3A_741 = tpu.vector_load %arg10[%get3A_740] {strides = array<i32>} : memref<4096xf32, #tpu.memory_space<vmem>>, vector<16xf32>,
      %mul3A_742 = arith.mulf %get3A_741, %gather3A_178 : vector<16xf32>
      %get3A_743 = arith.constant 1808 : index
      %get3A_744 = tpu.vector_load %arg10[%get3A_743] {strides = array<i32>} : memref<4096xf32, #tpu.memory_space<vmem>>, vector<16xf32>,
      %mul3A_745 = arith.mulf %get3A_744, %gather3A_185 : vector<16xf32>
      %add3A_746 = arith.addf %mul3A_742, %mul3A_745 : vector<16xf32>
      %get3A_747 = arith.constant 1824 : index
      %get3A_748 = tpu.vector_load %arg10[%get3A_747] {strides = array<i32>} : memref<4096xf32, #tpu.memory_space<vmem>>, vector<16xf32>,
      %mul3A_749 = arith.mulf %get3A_748, %gather3A_192 : vector<16xf32>
      %add3A_750 = arith.addf %add3A_746, %mul3A_749 : vector<16xf32>
      %get3A_751 = arith.constant 1840 : index
      %get3A_752 = tpu.vector_load %arg10[%get3A_751] {strides = array<i32>} : memref<4096xf32, #tpu.memory_space<vmem>>, vector<16xf32>,
      %mul3A_753 = arith.mulf %get3A_752, %gather3A_199 : vector<16xf32>
      %add3A_754 = arith.addf %add3A_750, %mul3A_753 : vector<16xf32>
      %get3A_755 = arith.constant 1856 : index
      %get3A_756 = tpu.vector_load %arg10[%get3A_755] {strides = array<i32>} : memref<4096xf32, #tpu.memory_space<vmem>>, vector<16xf32>,
      %mul3A_757 = arith.mulf %get3A_756, %gather3A_206 : vector<16xf32>
      %add3A_758 = arith.addf %add3A_754, %mul3A_757 : vector<16xf32>
      %get3A_759 = arith.constant 1872 : index
      %get3A_760 = tpu.vector_load %arg10[%get3A_759] {strides = array<i32>} : memref<4096xf32, #tpu.memory_space<vmem>>, vector<16xf32>,
      %mul3A_761 = arith.mulf %get3A_760, %gather3A_213 : vector<16xf32>
      %add3A_762 = arith.addf %add3A_758, %mul3A_761 : vector<16xf32>
      %get3A_763 = arith.constant 1888 : index
      %get3A_764 = tpu.vector_load %arg10[%get3A_763] {strides = array<i32>} : memref<4096xf32, #tpu.memory_space<vmem>>, vector<16xf32>,
      %mul3A_765 = arith.mulf %get3A_764, %gather3A_220 : vector<16xf32>
      %add3A_766 = arith.addf %add3A_762, %mul3A_765 : vector<16xf32>
      %get3A_767 = arith.constant 1904 : index
      %get3A_768 = tpu.vector_load %arg10[%get3A_767] {strides = array<i32>} : memref<4096xf32, #tpu.memory_space<vmem>>, vector<16xf32>,
      %mul3A_769 = arith.mulf %get3A_768, %gather3A_227 : vector<16xf32>
      %add3A_770 = arith.addf %add3A_766, %mul3A_769 : vector<16xf32>
      %get3A_771 = arith.constant 1920 : index
      %get3A_772 = tpu.vector_load %arg10[%get3A_771] {strides = array<i32>} : memref<4096xf32, #tpu.memory_space<vmem>>, vector<16xf32>,
      %mul3A_773 = arith.mulf %get3A_772, %gather3A_234 : vector<16xf32>
      %add3A_774 = arith.addf %add3A_770, %mul3A_773 : vector<16xf32>
      %get3A_775 = arith.constant 1936 : index
      %get3A_776 = tpu.vector_load %arg10[%get3A_775] {strides = array<i32>} : memref<4096xf32, #tpu.memory_space<vmem>>, vector<16xf32>,
      %mul3A_777 = arith.mulf %get3A_776, %gather3A_241 : vector<16xf32>
      %add3A_778 = arith.addf %add3A_774, %mul3A_777 : vector<16xf32>
      %get3A_779 = arith.constant 1952 : index
      %get3A_780 = tpu.vector_load %arg10[%get3A_779] {strides = array<i32>} : memref<4096xf32, #tpu.memory_space<vmem>>, vector<16xf32>,
      %mul3A_781 = arith.mulf %get3A_780, %gather3A_248 : vector<16xf32>
      %add3A_782 = arith.addf %add3A_778, %mul3A_781 : vector<16xf32>
      %get3A_783 = arith.constant 1968 : index
      %get3A_784 = tpu.vector_load %arg10[%get3A_783] {strides = array<i32>} : memref<4096xf32, #tpu.memory_space<vmem>>, vector<16xf32>,
      %mul3A_785 = arith.mulf %get3A_784, %gather3A_255 : vector<16xf32>
      %add3A_786 = arith.addf %add3A_782, %mul3A_785 : vector<16xf32>
      %get3A_787 = arith.constant 1984 : index
      %get3A_788 = tpu.vector_load %arg10[%get3A_787] {strides = array<i32>} : memref<4096xf32, #tpu.memory_space<vmem>>, vector<16xf32>,
      %mul3A_789 = arith.mulf %get3A_788, %gather3A_262 : vector<16xf32>
      %add3A_790 = arith.addf %add3A_786, %mul3A_789 : vector<16xf32>
      %get3A_791 = arith.constant 2000 : index
      %get3A_792 = tpu.vector_load %arg10[%get3A_791] {strides = array<i32>} : memref<4096xf32, #tpu.memory_space<vmem>>, vector<16xf32>,
      %mul3A_793 = arith.mulf %get3A_792, %gather3A_269 : vector<16xf32>
      %add3A_794 = arith.addf %add3A_790, %mul3A_793 : vector<16xf32>
      %get3A_795 = arith.constant 2016 : index
      %get3A_796 = tpu.vector_load %arg10[%get3A_795] {strides = array<i32>} : memref<4096xf32, #tpu.memory_space<vmem>>, vector<16xf32>,
      %mul3A_797 = arith.mulf %get3A_796, %gather3A_276 : vector<16xf32>
      %add3A_798 = arith.addf %add3A_794, %mul3A_797 : vector<16xf32>
      %get3A_799 = arith.constant 2032 : index
      %get3A_800 = tpu.vector_load %arg10[%get3A_799] {strides = array<i32>} : memref<4096xf32, #tpu.memory_space<vmem>>, vector<16xf32>,
      %mul3A_801 = arith.mulf %get3A_800, %gather3A_283 : vector<16xf32>
      %add3A_802 = arith.addf %add3A_798, %mul3A_801 : vector<16xf32>
      %mul3A_803 = arith.mulf %gather3A_115, %add3A_802 : vector<16xf32>
      %add3A_804 = arith.addf %add3A_739, %mul3A_803 : vector<16xf32>
      %get3A_805 = arith.constant 2048 : index
      %get3A_806 = tpu.vector_load %arg10[%get3A_805] {strides = array<i32>} : memref<4096xf32, #tpu.memory_space<vmem>>, vector<16xf32>,
      %mul3A_807 = arith.mulf %get3A_806, %gather3A_178 : vector<16xf32>
      %get3A_808 = arith.constant 2064 : index
      %get3A_809 = tpu.vector_load %arg10[%get3A_808] {strides = array<i32>} : memref<4096xf32, #tpu.memory_space<vmem>>, vector<16xf32>,
      %mul3A_810 = arith.mulf %get3A_809, %gather3A_185 : vector<16xf32>
      %add3A_811 = arith.addf %mul3A_807, %mul3A_810 : vector<16xf32>
      %get3A_812 = arith.constant 2080 : index
      %get3A_813 = tpu.vector_load %arg10[%get3A_812] {strides = array<i32>} : memref<4096xf32, #tpu.memory_space<vmem>>, vector<16xf32>,
      %mul3A_814 = arith.mulf %get3A_813, %gather3A_192 : vector<16xf32>
      %add3A_815 = arith.addf %add3A_811, %mul3A_814 : vector<16xf32>
      %get3A_816 = arith.constant 2096 : index
      %get3A_817 = tpu.vector_load %arg10[%get3A_816] {strides = array<i32>} : memref<4096xf32, #tpu.memory_space<vmem>>, vector<16xf32>,
      %mul3A_818 = arith.mulf %get3A_817, %gather3A_199 : vector<16xf32>
      %add3A_819 = arith.addf %add3A_815, %mul3A_818 : vector<16xf32>
      %get3A_820 = arith.constant 2112 : index
      %get3A_821 = tpu.vector_load %arg10[%get3A_820] {strides = array<i32>} : memref<4096xf32, #tpu.memory_space<vmem>>, vector<16xf32>,
      %mul3A_822 = arith.mulf %get3A_821, %gather3A_206 : vector<16xf32>
      %add3A_823 = arith.addf %add3A_819, %mul3A_822 : vector<16xf32>
      %get3A_824 = arith.constant 2128 : index
      %get3A_825 = tpu.vector_load %arg10[%get3A_824] {strides = array<i32>} : memref<4096xf32, #tpu.memory_space<vmem>>, vector<16xf32>,
      %mul3A_826 = arith.mulf %get3A_825, %gather3A_213 : vector<16xf32>
      %add3A_827 = arith.addf %add3A_823, %mul3A_826 : vector<16xf32>
      %get3A_828 = arith.constant 2144 : index
      %get3A_829 = tpu.vector_load %arg10[%get3A_828] {strides = array<i32>} : memref<4096xf32, #tpu.memory_space<vmem>>, vector<16xf32>,
      %mul3A_830 = arith.mulf %get3A_829, %gather3A_220 : vector<16xf32>
      %add3A_831 = arith.addf %add3A_827, %mul3A_830 : vector<16xf32>
      %get3A_832 = arith.constant 2160 : index
      %get3A_833 = tpu.vector_load %arg10[%get3A_832] {strides = array<i32>} : memref<4096xf32, #tpu.memory_space<vmem>>, vector<16xf32>,
      %mul3A_834 = arith.mulf %get3A_833, %gather3A_227 : vector<16xf32>
      %add3A_835 = arith.addf %add3A_831, %mul3A_834 : vector<16xf32>
      %get3A_836 = arith.constant 2176 : index
      %get3A_837 = tpu.vector_load %arg10[%get3A_836] {strides = array<i32>} : memref<4096xf32, #tpu.memory_space<vmem>>, vector<16xf32>,
      %mul3A_838 = arith.mulf %get3A_837, %gather3A_234 : vector<16xf32>
      %add3A_839 = arith.addf %add3A_835, %mul3A_838 : vector<16xf32>
      %get3A_840 = arith.constant 2192 : index
      %get3A_841 = tpu.vector_load %arg10[%get3A_840] {strides = array<i32>} : memref<4096xf32, #tpu.memory_space<vmem>>, vector<16xf32>,
      %mul3A_842 = arith.mulf %get3A_841, %gather3A_241 : vector<16xf32>
      %add3A_843 = arith.addf %add3A_839, %mul3A_842 : vector<16xf32>
      %get3A_844 = arith.constant 2208 : index
      %get3A_845 = tpu.vector_load %arg10[%get3A_844] {strides = array<i32>} : memref<4096xf32, #tpu.memory_space<vmem>>, vector<16xf32>,
      %mul3A_846 = arith.mulf %get3A_845, %gather3A_248 : vector<16xf32>
      %add3A_847 = arith.addf %add3A_843, %mul3A_846 : vector<16xf32>
      %get3A_848 = arith.constant 2224 : index
      %get3A_849 = tpu.vector_load %arg10[%get3A_848] {strides = array<i32>} : memref<4096xf32, #tpu.memory_space<vmem>>, vector<16xf32>,
      %mul3A_850 = arith.mulf %get3A_849, %gather3A_255 : vector<16xf32>
      %add3A_851 = arith.addf %add3A_847, %mul3A_850 : vector<16xf32>
      %get3A_852 = arith.constant 2240 : index
      %get3A_853 = tpu.vector_load %arg10[%get3A_852] {strides = array<i32>} : memref<4096xf32, #tpu.memory_space<vmem>>, vector<16xf32>,
      %mul3A_854 = arith.mulf %get3A_853, %gather3A_262 : vector<16xf32>
      %add3A_855 = arith.addf %add3A_851, %mul3A_854 : vector<16xf32>
      %get3A_856 = arith.constant 2256 : index
      %get3A_857 = tpu.vector_load %arg10[%get3A_856] {strides = array<i32>} : memref<4096xf32, #tpu.memory_space<vmem>>, vector<16xf32>,
      %mul3A_858 = arith.mulf %get3A_857, %gather3A_269 : vector<16xf32>
      %add3A_859 = arith.addf %add3A_855, %mul3A_858 : vector<16xf32>
      %get3A_860 = arith.constant 2272 : index
      %get3A_861 = tpu.vector_load %arg10[%get3A_860] {strides = array<i32>} : memref<4096xf32, #tpu.memory_space<vmem>>, vector<16xf32>,
      %mul3A_862 = arith.mulf %get3A_861, %gather3A_276 : vector<16xf32>
      %add3A_863 = arith.addf %add3A_859, %mul3A_862 : vector<16xf32>
      %get3A_864 = arith.constant 2288 : index
      %get3A_865 = tpu.vector_load %arg10[%get3A_864] {strides = array<i32>} : memref<4096xf32, #tpu.memory_space<vmem>>, vector<16xf32>,
      %mul3A_866 = arith.mulf %get3A_865, %gather3A_283 : vector<16xf32>
      %add3A_867 = arith.addf %add3A_863, %mul3A_866 : vector<16xf32>
      %mul3A_868 = arith.mulf %gather3A_122, %add3A_867 : vector<16xf32>
      %add3A_869 = arith.addf %add3A_804, %mul3A_868 : vector<16xf32>
      %get3A_870 = arith.constant 2304 : index
      %get3A_871 = tpu.vector_load %arg10[%get3A_870] {strides = array<i32>} : memref<4096xf32, #tpu.memory_space<vmem>>, vector<16xf32>,
      %mul3A_872 = arith.mulf %get3A_871, %gather3A_178 : vector<16xf32>
      %get3A_873 = arith.constant 2320 : index
      %get3A_874 = tpu.vector_load %arg10[%get3A_873] {strides = array<i32>} : memref<4096xf32, #tpu.memory_space<vmem>>, vector<16xf32>,
      %mul3A_875 = arith.mulf %get3A_874, %gather3A_185 : vector<16xf32>
      %add3A_876 = arith.addf %mul3A_872, %mul3A_875 : vector<16xf32>
      %get3A_877 = arith.constant 2336 : index
      %get3A_878 = tpu.vector_load %arg10[%get3A_877] {strides = array<i32>} : memref<4096xf32, #tpu.memory_space<vmem>>, vector<16xf32>,
      %mul3A_879 = arith.mulf %get3A_878, %gather3A_192 : vector<16xf32>
      %add3A_880 = arith.addf %add3A_876, %mul3A_879 : vector<16xf32>
      %get3A_881 = arith.constant 2352 : index
      %get3A_882 = tpu.vector_load %arg10[%get3A_881] {strides = array<i32>} : memref<4096xf32, #tpu.memory_space<vmem>>, vector<16xf32>,
      %mul3A_883 = arith.mulf %get3A_882, %gather3A_199 : vector<16xf32>
      %add3A_884 = arith.addf %add3A_880, %mul3A_883 : vector<16xf32>
      %get3A_885 = arith.constant 2368 : index
      %get3A_886 = tpu.vector_load %arg10[%get3A_885] {strides = array<i32>} : memref<4096xf32, #tpu.memory_space<vmem>>, vector<16xf32>,
      %mul3A_887 = arith.mulf %get3A_886, %gather3A_206 : vector<16xf32>
      %add3A_888 = arith.addf %add3A_884, %mul3A_887 : vector<16xf32>
      %get3A_889 = arith.constant 2384 : index
      %get3A_890 = tpu.vector_load %arg10[%get3A_889] {strides = array<i32>} : memref<4096xf32, #tpu.memory_space<vmem>>, vector<16xf32>,
      %mul3A_891 = arith.mulf %get3A_890, %gather3A_213 : vector<16xf32>
      %add3A_892 = arith.addf %add3A_888, %mul3A_891 : vector<16xf32>
      %get3A_893 = arith.constant 2400 : index
      %get3A_894 = tpu.vector_load %arg10[%get3A_893] {strides = array<i32>} : memref<4096xf32, #tpu.memory_space<vmem>>, vector<16xf32>,
      %mul3A_895 = arith.mulf %get3A_894, %gather3A_220 : vector<16xf32>
      %add3A_896 = arith.addf %add3A_892, %mul3A_895 : vector<16xf32>
      %get3A_897 = arith.constant 2416 : index
      %get3A_898 = tpu.vector_load %arg10[%get3A_897] {strides = array<i32>} : memref<4096xf32, #tpu.memory_space<vmem>>, vector<16xf32>,
      %mul3A_899 = arith.mulf %get3A_898, %gather3A_227 : vector<16xf32>
      %add3A_900 = arith.addf %add3A_896, %mul3A_899 : vector<16xf32>
      %get3A_901 = arith.constant 2432 : index
      %get3A_902 = tpu.vector_load %arg10[%get3A_901] {strides = array<i32>} : memref<4096xf32, #tpu.memory_space<vmem>>, vector<16xf32>,
      %mul3A_903 = arith.mulf %get3A_902, %gather3A_234 : vector<16xf32>
      %add3A_904 = arith.addf %add3A_900, %mul3A_903 : vector<16xf32>
      %get3A_905 = arith.constant 2448 : index
      %get3A_906 = tpu.vector_load %arg10[%get3A_905] {strides = array<i32>} : memref<4096xf32, #tpu.memory_space<vmem>>, vector<16xf32>,
      %mul3A_907 = arith.mulf %get3A_906, %gather3A_241 : vector<16xf32>
      %add3A_908 = arith.addf %add3A_904, %mul3A_907 : vector<16xf32>
      %get3A_909 = arith.constant 2464 : index
      %get3A_910 = tpu.vector_load %arg10[%get3A_909] {strides = array<i32>} : memref<4096xf32, #tpu.memory_space<vmem>>, vector<16xf32>,
      %mul3A_911 = arith.mulf %get3A_910, %gather3A_248 : vector<16xf32>
      %add3A_912 = arith.addf %add3A_908, %mul3A_911 : vector<16xf32>
      %get3A_913 = arith.constant 2480 : index
      %get3A_914 = tpu.vector_load %arg10[%get3A_913] {strides = array<i32>} : memref<4096xf32, #tpu.memory_space<vmem>>, vector<16xf32>,
      %mul3A_915 = arith.mulf %get3A_914, %gather3A_255 : vector<16xf32>
      %add3A_916 = arith.addf %add3A_912, %mul3A_915 : vector<16xf32>
      %get3A_917 = arith.constant 2496 : index
      %get3A_918 = tpu.vector_load %arg10[%get3A_917] {strides = array<i32>} : memref<4096xf32, #tpu.memory_space<vmem>>, vector<16xf32>,
      %mul3A_919 = arith.mulf %get3A_918, %gather3A_262 : vector<16xf32>
      %add3A_920 = arith.addf %add3A_916, %mul3A_919 : vector<16xf32>
      %get3A_921 = arith.constant 2512 : index
      %get3A_922 = tpu.vector_load %arg10[%get3A_921] {strides = array<i32>} : memref<4096xf32, #tpu.memory_space<vmem>>, vector<16xf32>,
      %mul3A_923 = arith.mulf %get3A_922, %gather3A_269 : vector<16xf32>
      %add3A_924 = arith.addf %add3A_920, %mul3A_923 : vector<16xf32>
      %get3A_925 = arith.constant 2528 : index
      %get3A_926 = tpu.vector_load %arg10[%get3A_925] {strides = array<i32>} : memref<4096xf32, #tpu.memory_space<vmem>>, vector<16xf32>,
      %mul3A_927 = arith.mulf %get3A_926, %gather3A_276 : vector<16xf32>
      %add3A_928 = arith.addf %add3A_924, %mul3A_927 : vector<16xf32>
      %get3A_929 = arith.constant 2544 : index
      %get3A_930 = tpu.vector_load %arg10[%get3A_929] {strides = array<i32>} : memref<4096xf32, #tpu.memory_space<vmem>>, vector<16xf32>,
      %mul3A_931 = arith.mulf %get3A_930, %gather3A_283 : vector<16xf32>
      %add3A_932 = arith.addf %add3A_928, %mul3A_931 : vector<16xf32>
      %mul3A_933 = arith.mulf %gather3A_129, %add3A_932 : vector<16xf32>
      %add3A_934 = arith.addf %add3A_869, %mul3A_933 : vector<16xf32>
      %get3A_935 = arith.constant 2560 : index
      %get3A_936 = tpu.vector_load %arg10[%get3A_935] {strides = array<i32>} : memref<4096xf32, #tpu.memory_space<vmem>>, vector<16xf32>,
      %mul3A_937 = arith.mulf %get3A_936, %gather3A_178 : vector<16xf32>
      %get3A_938 = arith.constant 2576 : index
      %get3A_939 = tpu.vector_load %arg10[%get3A_938] {strides = array<i32>} : memref<4096xf32, #tpu.memory_space<vmem>>, vector<16xf32>,
      %mul3A_940 = arith.mulf %get3A_939, %gather3A_185 : vector<16xf32>
      %add3A_941 = arith.addf %mul3A_937, %mul3A_940 : vector<16xf32>
      %get3A_942 = arith.constant 2592 : index
      %get3A_943 = tpu.vector_load %arg10[%get3A_942] {strides = array<i32>} : memref<4096xf32, #tpu.memory_space<vmem>>, vector<16xf32>,
      %mul3A_944 = arith.mulf %get3A_943, %gather3A_192 : vector<16xf32>
      %add3A_945 = arith.addf %add3A_941, %mul3A_944 : vector<16xf32>
      %get3A_946 = arith.constant 2608 : index
      %get3A_947 = tpu.vector_load %arg10[%get3A_946] {strides = array<i32>} : memref<4096xf32, #tpu.memory_space<vmem>>, vector<16xf32>,
      %mul3A_948 = arith.mulf %get3A_947, %gather3A_199 : vector<16xf32>
      %add3A_949 = arith.addf %add3A_945, %mul3A_948 : vector<16xf32>
      %get3A_950 = arith.constant 2624 : index
      %get3A_951 = tpu.vector_load %arg10[%get3A_950] {strides = array<i32>} : memref<4096xf32, #tpu.memory_space<vmem>>, vector<16xf32>,
      %mul3A_952 = arith.mulf %get3A_951, %gather3A_206 : vector<16xf32>
      %add3A_953 = arith.addf %add3A_949, %mul3A_952 : vector<16xf32>
      %get3A_954 = arith.constant 2640 : index
      %get3A_955 = tpu.vector_load %arg10[%get3A_954] {strides = array<i32>} : memref<4096xf32, #tpu.memory_space<vmem>>, vector<16xf32>,
      %mul3A_956 = arith.mulf %get3A_955, %gather3A_213 : vector<16xf32>
      %add3A_957 = arith.addf %add3A_953, %mul3A_956 : vector<16xf32>
      %get3A_958 = arith.constant 2656 : index
      %get3A_959 = tpu.vector_load %arg10[%get3A_958] {strides = array<i32>} : memref<4096xf32, #tpu.memory_space<vmem>>, vector<16xf32>,
      %mul3A_960 = arith.mulf %get3A_959, %gather3A_220 : vector<16xf32>
      %add3A_961 = arith.addf %add3A_957, %mul3A_960 : vector<16xf32>
      %get3A_962 = arith.constant 2672 : index
      %get3A_963 = tpu.vector_load %arg10[%get3A_962] {strides = array<i32>} : memref<4096xf32, #tpu.memory_space<vmem>>, vector<16xf32>,
      %mul3A_964 = arith.mulf %get3A_963, %gather3A_227 : vector<16xf32>
      %add3A_965 = arith.addf %add3A_961, %mul3A_964 : vector<16xf32>
      %get3A_966 = arith.constant 2688 : index
      %get3A_967 = tpu.vector_load %arg10[%get3A_966] {strides = array<i32>} : memref<4096xf32, #tpu.memory_space<vmem>>, vector<16xf32>,
      %mul3A_968 = arith.mulf %get3A_967, %gather3A_234 : vector<16xf32>
      %add3A_969 = arith.addf %add3A_965, %mul3A_968 : vector<16xf32>
      %get3A_970 = arith.constant 2704 : index
      %get3A_971 = tpu.vector_load %arg10[%get3A_970] {strides = array<i32>} : memref<4096xf32, #tpu.memory_space<vmem>>, vector<16xf32>,
      %mul3A_972 = arith.mulf %get3A_971, %gather3A_241 : vector<16xf32>
      %add3A_973 = arith.addf %add3A_969, %mul3A_972 : vector<16xf32>
      %get3A_974 = arith.constant 2720 : index
      %get3A_975 = tpu.vector_load %arg10[%get3A_974] {strides = array<i32>} : memref<4096xf32, #tpu.memory_space<vmem>>, vector<16xf32>,
      %mul3A_976 = arith.mulf %get3A_975, %gather3A_248 : vector<16xf32>
      %add3A_977 = arith.addf %add3A_973, %mul3A_976 : vector<16xf32>
      %get3A_978 = arith.constant 2736 : index
      %get3A_979 = tpu.vector_load %arg10[%get3A_978] {strides = array<i32>} : memref<4096xf32, #tpu.memory_space<vmem>>, vector<16xf32>,
      %mul3A_980 = arith.mulf %get3A_979, %gather3A_255 : vector<16xf32>
      %add3A_981 = arith.addf %add3A_977, %mul3A_980 : vector<16xf32>
      %get3A_982 = arith.constant 2752 : index
      %get3A_983 = tpu.vector_load %arg10[%get3A_982] {strides = array<i32>} : memref<4096xf32, #tpu.memory_space<vmem>>, vector<16xf32>,
      %mul3A_984 = arith.mulf %get3A_983, %gather3A_262 : vector<16xf32>
      %add3A_985 = arith.addf %add3A_981, %mul3A_984 : vector<16xf32>
      %get3A_986 = arith.constant 2768 : index
      %get3A_987 = tpu.vector_load %arg10[%get3A_986] {strides = array<i32>} : memref<4096xf32, #tpu.memory_space<vmem>>, vector<16xf32>,
      %mul3A_988 = arith.mulf %get3A_987, %gather3A_269 : vector<16xf32>
      %add3A_989 = arith.addf %add3A_985, %mul3A_988 : vector<16xf32>
      %get3A_990 = arith.constant 2784 : index
      %get3A_991 = tpu.vector_load %arg10[%get3A_990] {strides = array<i32>} : memref<4096xf32, #tpu.memory_space<vmem>>, vector<16xf32>,
      %mul3A_992 = arith.mulf %get3A_991, %gather3A_276 : vector<16xf32>
      %add3A_993 = arith.addf %add3A_989, %mul3A_992 : vector<16xf32>
      %get3A_994 = arith.constant 2800 : index
      %get3A_995 = tpu.vector_load %arg10[%get3A_994] {strides = array<i32>} : memref<4096xf32, #tpu.memory_space<vmem>>, vector<16xf32>,
      %mul3A_996 = arith.mulf %get3A_995, %gather3A_283 : vector<16xf32>
      %add3A_997 = arith.addf %add3A_993, %mul3A_996 : vector<16xf32>
      %mul3A_998 = arith.mulf %gather3A_136, %add3A_997 : vector<16xf32>
      %add3A_999 = arith.addf %add3A_934, %mul3A_998 : vector<16xf32>
      %get3A_1000 = arith.constant 2816 : index
      %get3A_1001 = tpu.vector_load %arg10[%get3A_1000] {strides = array<i32>} : memref<4096xf32, #tpu.memory_space<vmem>>, vector<16xf32>,
      %mul3A_1002 = arith.mulf %get3A_1001, %gather3A_178 : vector<16xf32>
      %get3A_1003 = arith.constant 2832 : index
      %get3A_1004 = tpu.vector_load %arg10[%get3A_1003] {strides = array<i32>} : memref<4096xf32, #tpu.memory_space<vmem>>, vector<16xf32>,
      %mul3A_1005 = arith.mulf %get3A_1004, %gather3A_185 : vector<16xf32>
      %add3A_1006 = arith.addf %mul3A_1002, %mul3A_1005 : vector<16xf32>
      %get3A_1007 = arith.constant 2848 : index
      %get3A_1008 = tpu.vector_load %arg10[%get3A_1007] {strides = array<i32>} : memref<4096xf32, #tpu.memory_space<vmem>>, vector<16xf32>,
      %mul3A_1009 = arith.mulf %get3A_1008, %gather3A_192 : vector<16xf32>
      %add3A_1010 = arith.addf %add3A_1006, %mul3A_1009 : vector<16xf32>
      %get3A_1011 = arith.constant 2864 : index
      %get3A_1012 = tpu.vector_load %arg10[%get3A_1011] {strides = array<i32>} : memref<4096xf32, #tpu.memory_space<vmem>>, vector<16xf32>,
      %mul3A_1013 = arith.mulf %get3A_1012, %gather3A_199 : vector<16xf32>
      %add3A_1014 = arith.addf %add3A_1010, %mul3A_1013 : vector<16xf32>
      %get3A_1015 = arith.constant 2880 : index
      %get3A_1016 = tpu.vector_load %arg10[%get3A_1015] {strides = array<i32>} : memref<4096xf32, #tpu.memory_space<vmem>>, vector<16xf32>,
      %mul3A_1017 = arith.mulf %get3A_1016, %gather3A_206 : vector<16xf32>
      %add3A_1018 = arith.addf %add3A_1014, %mul3A_1017 : vector<16xf32>
      %get3A_1019 = arith.constant 2896 : index
      %get3A_1020 = tpu.vector_load %arg10[%get3A_1019] {strides = array<i32>} : memref<4096xf32, #tpu.memory_space<vmem>>, vector<16xf32>,
      %mul3A_1021 = arith.mulf %get3A_1020, %gather3A_213 : vector<16xf32>
      %add3A_1022 = arith.addf %add3A_1018, %mul3A_1021 : vector<16xf32>
      %get3A_1023 = arith.constant 2912 : index
      %get3A_1024 = tpu.vector_load %arg10[%get3A_1023] {strides = array<i32>} : memref<4096xf32, #tpu.memory_space<vmem>>, vector<16xf32>,
      %mul3A_1025 = arith.mulf %get3A_1024, %gather3A_220 : vector<16xf32>
      %add3A_1026 = arith.addf %add3A_1022, %mul3A_1025 : vector<16xf32>
      %get3A_1027 = arith.constant 2928 : index
      %get3A_1028 = tpu.vector_load %arg10[%get3A_1027] {strides = array<i32>} : memref<4096xf32, #tpu.memory_space<vmem>>, vector<16xf32>,
      %mul3A_1029 = arith.mulf %get3A_1028, %gather3A_227 : vector<16xf32>
      %add3A_1030 = arith.addf %add3A_1026, %mul3A_1029 : vector<16xf32>
      %get3A_1031 = arith.constant 2944 : index
      %get3A_1032 = tpu.vector_load %arg10[%get3A_1031] {strides = array<i32>} : memref<4096xf32, #tpu.memory_space<vmem>>, vector<16xf32>,
      %mul3A_1033 = arith.mulf %get3A_1032, %gather3A_234 : vector<16xf32>
      %add3A_1034 = arith.addf %add3A_1030, %mul3A_1033 : vector<16xf32>
      %get3A_1035 = arith.constant 2960 : index
      %get3A_1036 = tpu.vector_load %arg10[%get3A_1035] {strides = array<i32>} : memref<4096xf32, #tpu.memory_space<vmem>>, vector<16xf32>,
      %mul3A_1037 = arith.mulf %get3A_1036, %gather3A_241 : vector<16xf32>
      %add3A_1038 = arith.addf %add3A_1034, %mul3A_1037 : vector<16xf32>
      %get3A_1039 = arith.constant 2976 : index
      %get3A_1040 = tpu.vector_load %arg10[%get3A_1039] {strides = array<i32>} : memref<4096xf32, #tpu.memory_space<vmem>>, vector<16xf32>,
      %mul3A_1041 = arith.mulf %get3A_1040, %gather3A_248 : vector<16xf32>
      %add3A_1042 = arith.addf %add3A_1038, %mul3A_1041 : vector<16xf32>
      %get3A_1043 = arith.constant 2992 : index
      %get3A_1044 = tpu.vector_load %arg10[%get3A_1043] {strides = array<i32>} : memref<4096xf32, #tpu.memory_space<vmem>>, vector<16xf32>,
      %mul3A_1045 = arith.mulf %get3A_1044, %gather3A_255 : vector<16xf32>
      %add3A_1046 = arith.addf %add3A_1042, %mul3A_1045 : vector<16xf32>
      %get3A_1047 = arith.constant 3008 : index
      %get3A_1048 = tpu.vector_load %arg10[%get3A_1047] {strides = array<i32>} : memref<4096xf32, #tpu.memory_space<vmem>>, vector<16xf32>,
      %mul3A_1049 = arith.mulf %get3A_1048, %gather3A_262 : vector<16xf32>
      %add3A_1050 = arith.addf %add3A_1046, %mul3A_1049 : vector<16xf32>
      %get3A_1051 = arith.constant 3024 : index
      %get3A_1052 = tpu.vector_load %arg10[%get3A_1051] {strides = array<i32>} : memref<4096xf32, #tpu.memory_space<vmem>>, vector<16xf32>,
      %mul3A_1053 = arith.mulf %get3A_1052, %gather3A_269 : vector<16xf32>
      %add3A_1054 = arith.addf %add3A_1050, %mul3A_1053 : vector<16xf32>
      %get3A_1055 = arith.constant 3040 : index
      %get3A_1056 = tpu.vector_load %arg10[%get3A_1055] {strides = array<i32>} : memref<4096xf32, #tpu.memory_space<vmem>>, vector<16xf32>,
      %mul3A_1057 = arith.mulf %get3A_1056, %gather3A_276 : vector<16xf32>
      %add3A_1058 = arith.addf %add3A_1054, %mul3A_1057 : vector<16xf32>
      %get3A_1059 = arith.constant 3056 : index
      %get3A_1060 = tpu.vector_load %arg10[%get3A_1059] {strides = array<i32>} : memref<4096xf32, #tpu.memory_space<vmem>>, vector<16xf32>,
      %mul3A_1061 = arith.mulf %get3A_1060, %gather3A_283 : vector<16xf32>
      %add3A_1062 = arith.addf %add3A_1058, %mul3A_1061 : vector<16xf32>
      %mul3A_1063 = arith.mulf %gather3A_143, %add3A_1062 : vector<16xf32>
      %add3A_1064 = arith.addf %add3A_999, %mul3A_1063 : vector<16xf32>
      %get3A_1065 = arith.constant 3072 : index
      %get3A_1066 = tpu.vector_load %arg10[%get3A_1065] {strides = array<i32>} : memref<4096xf32, #tpu.memory_space<vmem>>, vector<16xf32>,
      %mul3A_1067 = arith.mulf %get3A_1066, %gather3A_178 : vector<16xf32>
      %get3A_1068 = arith.constant 3088 : index
      %get3A_1069 = tpu.vector_load %arg10[%get3A_1068] {strides = array<i32>} : memref<4096xf32, #tpu.memory_space<vmem>>, vector<16xf32>,
      %mul3A_1070 = arith.mulf %get3A_1069, %gather3A_185 : vector<16xf32>
      %add3A_1071 = arith.addf %mul3A_1067, %mul3A_1070 : vector<16xf32>
      %get3A_1072 = arith.constant 3104 : index
      %get3A_1073 = tpu.vector_load %arg10[%get3A_1072] {strides = array<i32>} : memref<4096xf32, #tpu.memory_space<vmem>>, vector<16xf32>,
      %mul3A_1074 = arith.mulf %get3A_1073, %gather3A_192 : vector<16xf32>
      %add3A_1075 = arith.addf %add3A_1071, %mul3A_1074 : vector<16xf32>
      %get3A_1076 = arith.constant 3120 : index
      %get3A_1077 = tpu.vector_load %arg10[%get3A_1076] {strides = array<i32>} : memref<4096xf32, #tpu.memory_space<vmem>>, vector<16xf32>,
      %mul3A_1078 = arith.mulf %get3A_1077, %gather3A_199 : vector<16xf32>
      %add3A_1079 = arith.addf %add3A_1075, %mul3A_1078 : vector<16xf32>
      %get3A_1080 = arith.constant 3136 : index
      %get3A_1081 = tpu.vector_load %arg10[%get3A_1080] {strides = array<i32>} : memref<4096xf32, #tpu.memory_space<vmem>>, vector<16xf32>,
      %mul3A_1082 = arith.mulf %get3A_1081, %gather3A_206 : vector<16xf32>
      %add3A_1083 = arith.addf %add3A_1079, %mul3A_1082 : vector<16xf32>
      %get3A_1084 = arith.constant 3152 : index
      %get3A_1085 = tpu.vector_load %arg10[%get3A_1084] {strides = array<i32>} : memref<4096xf32, #tpu.memory_space<vmem>>, vector<16xf32>,
      %mul3A_1086 = arith.mulf %get3A_1085, %gather3A_213 : vector<16xf32>
      %add3A_1087 = arith.addf %add3A_1083, %mul3A_1086 : vector<16xf32>
      %get3A_1088 = arith.constant 3168 : index
      %get3A_1089 = tpu.vector_load %arg10[%get3A_1088] {strides = array<i32>} : memref<4096xf32, #tpu.memory_space<vmem>>, vector<16xf32>,
      %mul3A_1090 = arith.mulf %get3A_1089, %gather3A_220 : vector<16xf32>
      %add3A_1091 = arith.addf %add3A_1087, %mul3A_1090 : vector<16xf32>
      %get3A_1092 = arith.constant 3184 : index
      %get3A_1093 = tpu.vector_load %arg10[%get3A_1092] {strides = array<i32>} : memref<4096xf32, #tpu.memory_space<vmem>>, vector<16xf32>,
      %mul3A_1094 = arith.mulf %get3A_1093, %gather3A_227 : vector<16xf32>
      %add3A_1095 = arith.addf %add3A_1091, %mul3A_1094 : vector<16xf32>
      %get3A_1096 = arith.constant 3200 : index
      %get3A_1097 = tpu.vector_load %arg10[%get3A_1096] {strides = array<i32>} : memref<4096xf32, #tpu.memory_space<vmem>>, vector<16xf32>,
      %mul3A_1098 = arith.mulf %get3A_1097, %gather3A_234 : vector<16xf32>
      %add3A_1099 = arith.addf %add3A_1095, %mul3A_1098 : vector<16xf32>
      %get3A_1100 = arith.constant 3216 : index
      %get3A_1101 = tpu.vector_load %arg10[%get3A_1100] {strides = array<i32>} : memref<4096xf32, #tpu.memory_space<vmem>>, vector<16xf32>,
      %mul3A_1102 = arith.mulf %get3A_1101, %gather3A_241 : vector<16xf32>
      %add3A_1103 = arith.addf %add3A_1099, %mul3A_1102 : vector<16xf32>
      %get3A_1104 = arith.constant 3232 : index
      %get3A_1105 = tpu.vector_load %arg10[%get3A_1104] {strides = array<i32>} : memref<4096xf32, #tpu.memory_space<vmem>>, vector<16xf32>,
      %mul3A_1106 = arith.mulf %get3A_1105, %gather3A_248 : vector<16xf32>
      %add3A_1107 = arith.addf %add3A_1103, %mul3A_1106 : vector<16xf32>
      %get3A_1108 = arith.constant 3248 : index
      %get3A_1109 = tpu.vector_load %arg10[%get3A_1108] {strides = array<i32>} : memref<4096xf32, #tpu.memory_space<vmem>>, vector<16xf32>,
      %mul3A_1110 = arith.mulf %get3A_1109, %gather3A_255 : vector<16xf32>
      %add3A_1111 = arith.addf %add3A_1107, %mul3A_1110 : vector<16xf32>
      %get3A_1112 = arith.constant 3264 : index
      %get3A_1113 = tpu.vector_load %arg10[%get3A_1112] {strides = array<i32>} : memref<4096xf32, #tpu.memory_space<vmem>>, vector<16xf32>,
      %mul3A_1114 = arith.mulf %get3A_1113, %gather3A_262 : vector<16xf32>
      %add3A_1115 = arith.addf %add3A_1111, %mul3A_1114 : vector<16xf32>
      %get3A_1116 = arith.constant 3280 : index
      %get3A_1117 = tpu.vector_load %arg10[%get3A_1116] {strides = array<i32>} : memref<4096xf32, #tpu.memory_space<vmem>>, vector<16xf32>,
      %mul3A_1118 = arith.mulf %get3A_1117, %gather3A_269 : vector<16xf32>
      %add3A_1119 = arith.addf %add3A_1115, %mul3A_1118 : vector<16xf32>
      %get3A_1120 = arith.constant 3296 : index
      %get3A_1121 = tpu.vector_load %arg10[%get3A_1120] {strides = array<i32>} : memref<4096xf32, #tpu.memory_space<vmem>>, vector<16xf32>,
      %mul3A_1122 = arith.mulf %get3A_1121, %gather3A_276 : vector<16xf32>
      %add3A_1123 = arith.addf %add3A_1119, %mul3A_1122 : vector<16xf32>
      %get3A_1124 = arith.constant 3312 : index
      %get3A_1125 = tpu.vector_load %arg10[%get3A_1124] {strides = array<i32>} : memref<4096xf32, #tpu.memory_space<vmem>>, vector<16xf32>,
      %mul3A_1126 = arith.mulf %get3A_1125, %gather3A_283 : vector<16xf32>
      %add3A_1127 = arith.addf %add3A_1123, %mul3A_1126 : vector<16xf32>
      %mul3A_1128 = arith.mulf %gather3A_150, %add3A_1127 : vector<16xf32>
      %add3A_1129 = arith.addf %add3A_1064, %mul3A_1128 : vector<16xf32>
      %get3A_1130 = arith.constant 3328 : index
      %get3A_1131 = tpu.vector_load %arg10[%get3A_1130] {strides = array<i32>} : memref<4096xf32, #tpu.memory_space<vmem>>, vector<16xf32>,
      %mul3A_1132 = arith.mulf %get3A_1131, %gather3A_178 : vector<16xf32>
      %get3A_1133 = arith.constant 3344 : index
      %get3A_1134 = tpu.vector_load %arg10[%get3A_1133] {strides = array<i32>} : memref<4096xf32, #tpu.memory_space<vmem>>, vector<16xf32>,
      %mul3A_1135 = arith.mulf %get3A_1134, %gather3A_185 : vector<16xf32>
      %add3A_1136 = arith.addf %mul3A_1132, %mul3A_1135 : vector<16xf32>
      %get3A_1137 = arith.constant 3360 : index
      %get3A_1138 = tpu.vector_load %arg10[%get3A_1137] {strides = array<i32>} : memref<4096xf32, #tpu.memory_space<vmem>>, vector<16xf32>,
      %mul3A_1139 = arith.mulf %get3A_1138, %gather3A_192 : vector<16xf32>
      %add3A_1140 = arith.addf %add3A_1136, %mul3A_1139 : vector<16xf32>
      %get3A_1141 = arith.constant 3376 : index
      %get3A_1142 = tpu.vector_load %arg10[%get3A_1141] {strides = array<i32>} : memref<4096xf32, #tpu.memory_space<vmem>>, vector<16xf32>,
      %mul3A_1143 = arith.mulf %get3A_1142, %gather3A_199 : vector<16xf32>
      %add3A_1144 = arith.addf %add3A_1140, %mul3A_1143 : vector<16xf32>
      %get3A_1145 = arith.constant 3392 : index
      %get3A_1146 = tpu.vector_load %arg10[%get3A_1145] {strides = array<i32>} : memref<4096xf32, #tpu.memory_space<vmem>>, vector<16xf32>,
      %mul3A_1147 = arith.mulf %get3A_1146, %gather3A_206 : vector<16xf32>
      %add3A_1148 = arith.addf %add3A_1144, %mul3A_1147 : vector<16xf32>
      %get3A_1149 = arith.constant 3408 : index
      %get3A_1150 = tpu.vector_load %arg10[%get3A_1149] {strides = array<i32>} : memref<4096xf32, #tpu.memory_space<vmem>>, vector<16xf32>,
      %mul3A_1151 = arith.mulf %get3A_1150, %gather3A_213 : vector<16xf32>
      %add3A_1152 = arith.addf %add3A_1148, %mul3A_1151 : vector<16xf32>
      %get3A_1153 = arith.constant 3424 : index
      %get3A_1154 = tpu.vector_load %arg10[%get3A_1153] {strides = array<i32>} : memref<4096xf32, #tpu.memory_space<vmem>>, vector<16xf32>,
      %mul3A_1155 = arith.mulf %get3A_1154, %gather3A_220 : vector<16xf32>
      %add3A_1156 = arith.addf %add3A_1152, %mul3A_1155 : vector<16xf32>
      %get3A_1157 = arith.constant 3440 : index
      %get3A_1158 = tpu.vector_load %arg10[%get3A_1157] {strides = array<i32>} : memref<4096xf32, #tpu.memory_space<vmem>>, vector<16xf32>,
      %mul3A_1159 = arith.mulf %get3A_1158, %gather3A_227 : vector<16xf32>
      %add3A_1160 = arith.addf %add3A_1156, %mul3A_1159 : vector<16xf32>
      %get3A_1161 = arith.constant 3456 : index
      %get3A_1162 = tpu.vector_load %arg10[%get3A_1161] {strides = array<i32>} : memref<4096xf32, #tpu.memory_space<vmem>>, vector<16xf32>,
      %mul3A_1163 = arith.mulf %get3A_1162, %gather3A_234 : vector<16xf32>
      %add3A_1164 = arith.addf %add3A_1160, %mul3A_1163 : vector<16xf32>
      %get3A_1165 = arith.constant 3472 : index
      %get3A_1166 = tpu.vector_load %arg10[%get3A_1165] {strides = array<i32>} : memref<4096xf32, #tpu.memory_space<vmem>>, vector<16xf32>,
      %mul3A_1167 = arith.mulf %get3A_1166, %gather3A_241 : vector<16xf32>
      %add3A_1168 = arith.addf %add3A_1164, %mul3A_1167 : vector<16xf32>
      %get3A_1169 = arith.constant 3488 : index
      %get3A_1170 = tpu.vector_load %arg10[%get3A_1169] {strides = array<i32>} : memref<4096xf32, #tpu.memory_space<vmem>>, vector<16xf32>,
      %mul3A_1171 = arith.mulf %get3A_1170, %gather3A_248 : vector<16xf32>
      %add3A_1172 = arith.addf %add3A_1168, %mul3A_1171 : vector<16xf32>
      %get3A_1173 = arith.constant 3504 : index
      %get3A_1174 = tpu.vector_load %arg10[%get3A_1173] {strides = array<i32>} : memref<4096xf32, #tpu.memory_space<vmem>>, vector<16xf32>,
      %mul3A_1175 = arith.mulf %get3A_1174, %gather3A_255 : vector<16xf32>
      %add3A_1176 = arith.addf %add3A_1172, %mul3A_1175 : vector<16xf32>
      %get3A_1177 = arith.constant 3520 : index
      %get3A_1178 = tpu.vector_load %arg10[%get3A_1177] {strides = array<i32>} : memref<4096xf32, #tpu.memory_space<vmem>>, vector<16xf32>,
      %mul3A_1179 = arith.mulf %get3A_1178, %gather3A_262 : vector<16xf32>
      %add3A_1180 = arith.addf %add3A_1176, %mul3A_1179 : vector<16xf32>
      %get3A_1181 = arith.constant 3536 : index
      %get3A_1182 = tpu.vector_load %arg10[%get3A_1181] {strides = array<i32>} : memref<4096xf32, #tpu.memory_space<vmem>>, vector<16xf32>,
      %mul3A_1183 = arith.mulf %get3A_1182, %gather3A_269 : vector<16xf32>
      %add3A_1184 = arith.addf %add3A_1180, %mul3A_1183 : vector<16xf32>
      %get3A_1185 = arith.constant 3552 : index
      %get3A_1186 = tpu.vector_load %arg10[%get3A_1185] {strides = array<i32>} : memref<4096xf32, #tpu.memory_space<vmem>>, vector<16xf32>,
      %mul3A_1187 = arith.mulf %get3A_1186, %gather3A_276 : vector<16xf32>
      %add3A_1188 = arith.addf %add3A_1184, %mul3A_1187 : vector<16xf32>
      %get3A_1189 = arith.constant 3568 : index
      %get3A_1190 = tpu.vector_load %arg10[%get3A_1189] {strides = array<i32>} : memref<4096xf32, #tpu.memory_space<vmem>>, vector<16xf32>,
      %mul3A_1191 = arith.mulf %get3A_1190, %gather3A_283 : vector<16xf32>
      %add3A_1192 = arith.addf %add3A_1188, %mul3A_1191 : vector<16xf32>
      %mul3A_1193 = arith.mulf %gather3A_157, %add3A_1192 : vector<16xf32>
      %add3A_1194 = arith.addf %add3A_1129, %mul3A_1193 : vector<16xf32>
      %get3A_1195 = arith.constant 3584 : index
      %get3A_1196 = tpu.vector_load %arg10[%get3A_1195] {strides = array<i32>} : memref<4096xf32, #tpu.memory_space<vmem>>, vector<16xf32>,
      %mul3A_1197 = arith.mulf %get3A_1196, %gather3A_178 : vector<16xf32>
      %get3A_1198 = arith.constant 3600 : index
      %get3A_1199 = tpu.vector_load %arg10[%get3A_1198] {strides = array<i32>} : memref<4096xf32, #tpu.memory_space<vmem>>, vector<16xf32>,
      %mul3A_1200 = arith.mulf %get3A_1199, %gather3A_185 : vector<16xf32>
      %add3A_1201 = arith.addf %mul3A_1197, %mul3A_1200 : vector<16xf32>
      %get3A_1202 = arith.constant 3616 : index
      %get3A_1203 = tpu.vector_load %arg10[%get3A_1202] {strides = array<i32>} : memref<4096xf32, #tpu.memory_space<vmem>>, vector<16xf32>,
      %mul3A_1204 = arith.mulf %get3A_1203, %gather3A_192 : vector<16xf32>
      %add3A_1205 = arith.addf %add3A_1201, %mul3A_1204 : vector<16xf32>
      %get3A_1206 = arith.constant 3632 : index
      %get3A_1207 = tpu.vector_load %arg10[%get3A_1206] {strides = array<i32>} : memref<4096xf32, #tpu.memory_space<vmem>>, vector<16xf32>,
      %mul3A_1208 = arith.mulf %get3A_1207, %gather3A_199 : vector<16xf32>
      %add3A_1209 = arith.addf %add3A_1205, %mul3A_1208 : vector<16xf32>
      %get3A_1210 = arith.constant 3648 : index
      %get3A_1211 = tpu.vector_load %arg10[%get3A_1210] {strides = array<i32>} : memref<4096xf32, #tpu.memory_space<vmem>>, vector<16xf32>,
      %mul3A_1212 = arith.mulf %get3A_1211, %gather3A_206 : vector<16xf32>
      %add3A_1213 = arith.addf %add3A_1209, %mul3A_1212 : vector<16xf32>
      %get3A_1214 = arith.constant 3664 : index
      %get3A_1215 = tpu.vector_load %arg10[%get3A_1214] {strides = array<i32>} : memref<4096xf32, #tpu.memory_space<vmem>>, vector<16xf32>,
      %mul3A_1216 = arith.mulf %get3A_1215, %gather3A_213 : vector<16xf32>
      %add3A_1217 = arith.addf %add3A_1213, %mul3A_1216 : vector<16xf32>
      %get3A_1218 = arith.constant 3680 : index
      %get3A_1219 = tpu.vector_load %arg10[%get3A_1218] {strides = array<i32>} : memref<4096xf32, #tpu.memory_space<vmem>>, vector<16xf32>,
      %mul3A_1220 = arith.mulf %get3A_1219, %gather3A_220 : vector<16xf32>
      %add3A_1221 = arith.addf %add3A_1217, %mul3A_1220 : vector<16xf32>
      %get3A_1222 = arith.constant 3696 : index
      %get3A_1223 = tpu.vector_load %arg10[%get3A_1222] {strides = array<i32>} : memref<4096xf32, #tpu.memory_space<vmem>>, vector<16xf32>,
      %mul3A_1224 = arith.mulf %get3A_1223, %gather3A_227 : vector<16xf32>
      %add3A_1225 = arith.addf %add3A_1221, %mul3A_1224 : vector<16xf32>
      %get3A_1226 = arith.constant 3712 : index
      %get3A_1227 = tpu.vector_load %arg10[%get3A_1226] {strides = array<i32>} : memref<4096xf32, #tpu.memory_space<vmem>>, vector<16xf32>,
      %mul3A_1228 = arith.mulf %get3A_1227, %gather3A_234 : vector<16xf32>
      %add3A_1229 = arith.addf %add3A_1225, %mul3A_1228 : vector<16xf32>
      %get3A_1230 = arith.constant 3728 : index
      %get3A_1231 = tpu.vector_load %arg10[%get3A_1230] {strides = array<i32>} : memref<4096xf32, #tpu.memory_space<vmem>>, vector<16xf32>,
      %mul3A_1232 = arith.mulf %get3A_1231, %gather3A_241 : vector<16xf32>
      %add3A_1233 = arith.addf %add3A_1229, %mul3A_1232 : vector<16xf32>
      %get3A_1234 = arith.constant 3744 : index
      %get3A_1235 = tpu.vector_load %arg10[%get3A_1234] {strides = array<i32>} : memref<4096xf32, #tpu.memory_space<vmem>>, vector<16xf32>,
      %mul3A_1236 = arith.mulf %get3A_1235, %gather3A_248 : vector<16xf32>
      %add3A_1237 = arith.addf %add3A_1233, %mul3A_1236 : vector<16xf32>
      %get3A_1238 = arith.constant 3760 : index
      %get3A_1239 = tpu.vector_load %arg10[%get3A_1238] {strides = array<i32>} : memref<4096xf32, #tpu.memory_space<vmem>>, vector<16xf32>,
      %mul3A_1240 = arith.mulf %get3A_1239, %gather3A_255 : vector<16xf32>
      %add3A_1241 = arith.addf %add3A_1237, %mul3A_1240 : vector<16xf32>
      %get3A_1242 = arith.constant 3776 : index
      %get3A_1243 = tpu.vector_load %arg10[%get3A_1242] {strides = array<i32>} : memref<4096xf32, #tpu.memory_space<vmem>>, vector<16xf32>,
      %mul3A_1244 = arith.mulf %get3A_1243, %gather3A_262 : vector<16xf32>
      %add3A_1245 = arith.addf %add3A_1241, %mul3A_1244 : vector<16xf32>
      %get3A_1246 = arith.constant 3792 : index
      %get3A_1247 = tpu.vector_load %arg10[%get3A_1246] {strides = array<i32>} : memref<4096xf32, #tpu.memory_space<vmem>>, vector<16xf32>,
      %mul3A_1248 = arith.mulf %get3A_1247, %gather3A_269 : vector<16xf32>
      %add3A_1249 = arith.addf %add3A_1245, %mul3A_1248 : vector<16xf32>
      %get3A_1250 = arith.constant 3808 : index
      %get3A_1251 = tpu.vector_load %arg10[%get3A_1250] {strides = array<i32>} : memref<4096xf32, #tpu.memory_space<vmem>>, vector<16xf32>,
      %mul3A_1252 = arith.mulf %get3A_1251, %gather3A_276 : vector<16xf32>
      %add3A_1253 = arith.addf %add3A_1249, %mul3A_1252 : vector<16xf32>
      %get3A_1254 = arith.constant 3824 : index
      %get3A_1255 = tpu.vector_load %arg10[%get3A_1254] {strides = array<i32>} : memref<4096xf32, #tpu.memory_space<vmem>>, vector<16xf32>,
      %mul3A_1256 = arith.mulf %get3A_1255, %gather3A_283 : vector<16xf32>
      %add3A_1257 = arith.addf %add3A_1253, %mul3A_1256 : vector<16xf32>
      %mul3A_1258 = arith.mulf %gather3A_164, %add3A_1257 : vector<16xf32>
      %add3A_1259 = arith.addf %add3A_1194, %mul3A_1258 : vector<16xf32>
      %get3A_1260 = arith.constant 3840 : index
      %get3A_1261 = tpu.vector_load %arg10[%get3A_1260] {strides = array<i32>} : memref<4096xf32, #tpu.memory_space<vmem>>, vector<16xf32>,
      %mul3A_1262 = arith.mulf %get3A_1261, %gather3A_178 : vector<16xf32>
      %get3A_1263 = arith.constant 3856 : index
      %get3A_1264 = tpu.vector_load %arg10[%get3A_1263] {strides = array<i32>} : memref<4096xf32, #tpu.memory_space<vmem>>, vector<16xf32>,
      %mul3A_1265 = arith.mulf %get3A_1264, %gather3A_185 : vector<16xf32>
      %add3A_1266 = arith.addf %mul3A_1262, %mul3A_1265 : vector<16xf32>
      %get3A_1267 = arith.constant 3872 : index
      %get3A_1268 = tpu.vector_load %arg10[%get3A_1267] {strides = array<i32>} : memref<4096xf32, #tpu.memory_space<vmem>>, vector<16xf32>,
      %mul3A_1269 = arith.mulf %get3A_1268, %gather3A_192 : vector<16xf32>
      %add3A_1270 = arith.addf %add3A_1266, %mul3A_1269 : vector<16xf32>
      %get3A_1271 = arith.constant 3888 : index
      %get3A_1272 = tpu.vector_load %arg10[%get3A_1271] {strides = array<i32>} : memref<4096xf32, #tpu.memory_space<vmem>>, vector<16xf32>,
      %mul3A_1273 = arith.mulf %get3A_1272, %gather3A_199 : vector<16xf32>
      %add3A_1274 = arith.addf %add3A_1270, %mul3A_1273 : vector<16xf32>
      %get3A_1275 = arith.constant 3904 : index
      %get3A_1276 = tpu.vector_load %arg10[%get3A_1275] {strides = array<i32>} : memref<4096xf32, #tpu.memory_space<vmem>>, vector<16xf32>,
      %mul3A_1277 = arith.mulf %get3A_1276, %gather3A_206 : vector<16xf32>
      %add3A_1278 = arith.addf %add3A_1274, %mul3A_1277 : vector<16xf32>
      %get3A_1279 = arith.constant 3920 : index
      %get3A_1280 = tpu.vector_load %arg10[%get3A_1279] {strides = array<i32>} : memref<4096xf32, #tpu.memory_space<vmem>>, vector<16xf32>,
      %mul3A_1281 = arith.mulf %get3A_1280, %gather3A_213 : vector<16xf32>
      %add3A_1282 = arith.addf %add3A_1278, %mul3A_1281 : vector<16xf32>
      %get3A_1283 = arith.constant 3936 : index
      %get3A_1284 = tpu.vector_load %arg10[%get3A_1283] {strides = array<i32>} : memref<4096xf32, #tpu.memory_space<vmem>>, vector<16xf32>,
      %mul3A_1285 = arith.mulf %get3A_1284, %gather3A_220 : vector<16xf32>
      %add3A_1286 = arith.addf %add3A_1282, %mul3A_1285 : vector<16xf32>
      %get3A_1287 = arith.constant 3952 : index
      %get3A_1288 = tpu.vector_load %arg10[%get3A_1287] {strides = array<i32>} : memref<4096xf32, #tpu.memory_space<vmem>>, vector<16xf32>,
      %mul3A_1289 = arith.mulf %get3A_1288, %gather3A_227 : vector<16xf32>
      %add3A_1290 = arith.addf %add3A_1286, %mul3A_1289 : vector<16xf32>
      %get3A_1291 = arith.constant 3968 : index
      %get3A_1292 = tpu.vector_load %arg10[%get3A_1291] {strides = array<i32>} : memref<4096xf32, #tpu.memory_space<vmem>>, vector<16xf32>,
      %mul3A_1293 = arith.mulf %get3A_1292, %gather3A_234 : vector<16xf32>
      %add3A_1294 = arith.addf %add3A_1290, %mul3A_1293 : vector<16xf32>
      %get3A_1295 = arith.constant 3984 : index
      %get3A_1296 = tpu.vector_load %arg10[%get3A_1295] {strides = array<i32>} : memref<4096xf32, #tpu.memory_space<vmem>>, vector<16xf32>,
      %mul3A_1297 = arith.mulf %get3A_1296, %gather3A_241 : vector<16xf32>
      %add3A_1298 = arith.addf %add3A_1294, %mul3A_1297 : vector<16xf32>
      %get3A_1299 = arith.constant 4000 : index
      %get3A_1300 = tpu.vector_load %arg10[%get3A_1299] {strides = array<i32>} : memref<4096xf32, #tpu.memory_space<vmem>>, vector<16xf32>,
      %mul3A_1301 = arith.mulf %get3A_1300, %gather3A_248 : vector<16xf32>
      %add3A_1302 = arith.addf %add3A_1298, %mul3A_1301 : vector<16xf32>
      %get3A_1303 = arith.constant 4016 : index
      %get3A_1304 = tpu.vector_load %arg10[%get3A_1303] {strides = array<i32>} : memref<4096xf32, #tpu.memory_space<vmem>>, vector<16xf32>,
      %mul3A_1305 = arith.mulf %get3A_1304, %gather3A_255 : vector<16xf32>
      %add3A_1306 = arith.addf %add3A_1302, %mul3A_1305 : vector<16xf32>
      %get3A_1307 = arith.constant 4032 : index
      %get3A_1308 = tpu.vector_load %arg10[%get3A_1307] {strides = array<i32>} : memref<4096xf32, #tpu.memory_space<vmem>>, vector<16xf32>,
      %mul3A_1309 = arith.mulf %get3A_1308, %gather3A_262 : vector<16xf32>
      %add3A_1310 = arith.addf %add3A_1306, %mul3A_1309 : vector<16xf32>
      %get3A_1311 = arith.constant 4048 : index
      %get3A_1312 = tpu.vector_load %arg10[%get3A_1311] {strides = array<i32>} : memref<4096xf32, #tpu.memory_space<vmem>>, vector<16xf32>,
      %mul3A_1313 = arith.mulf %get3A_1312, %gather3A_269 : vector<16xf32>
      %add3A_1314 = arith.addf %add3A_1310, %mul3A_1313 : vector<16xf32>
      %get3A_1315 = arith.constant 4064 : index
      %get3A_1316 = tpu.vector_load %arg10[%get3A_1315] {strides = array<i32>} : memref<4096xf32, #tpu.memory_space<vmem>>, vector<16xf32>,
      %mul3A_1317 = arith.mulf %get3A_1316, %gather3A_276 : vector<16xf32>
      %add3A_1318 = arith.addf %add3A_1314, %mul3A_1317 : vector<16xf32>
      %get3A_1319 = arith.constant 4080 : index
      %get3A_1320 = tpu.vector_load %arg10[%get3A_1319] {strides = array<i32>} : memref<4096xf32, #tpu.memory_space<vmem>>, vector<16xf32>,
      %mul3A_1321 = arith.mulf %get3A_1320, %gather3A_283 : vector<16xf32>
      %add3A_1322 = arith.addf %add3A_1318, %mul3A_1321 : vector<16xf32>
      %mul3A_1323 = arith.mulf %gather3A_171, %add3A_1322 : vector<16xf32>
      %add3A_1324 = arith.addf %add3A_1259, %mul3A_1323 : vector<16xf32>
      %swap3A = arith.index_cast %mul3A_40 : i32 to index
      %swap3A_1325 = tpu.vector_load %arg13[%swap3A] {strides = array<i32>} : memref<512xf32, #tpu.memory_space<vmem>>, vector<16xf32>,
      tpu.vector_store %arg13[%swap3A], %add3A_1324 {strides = array<i32>} : memref<512xf32, #tpu.memory_space<vmem>>, vector<16xf32>,
    }
    %scan3A_6 = arith.constant 32 : i32
    "tpu.region"() ({
      %run_scoped3A = tpu.sem_alloc : memref<!tpu.dma_semaphore, #tpu.memory_space<semaphore_mem>>
      %dma_start3A = tpu.memref_slice %arg7[%mul3A_2] : memref<16384xf32, #tpu.memory_space<hbm>> -> memref<512xf32, #tpu.memory_space<hbm>>
      %dma_start3A_7 = tpu.memref_slice %arg7[%mul3A_2] : memref<16384xf32, #tpu.memory_space<hbm>> -> memref<512xf32, #tpu.memory_space<hbm>>
      tpu.enqueue_dma source(%arg13 : memref<512xf32, #tpu.memory_space<vmem>>) target(%dma_start3A_7 : memref<512xf32, #tpu.memory_space<hbm>>) target_semaphore(%run_scoped3A : memref<!tpu.dma_semaphore, #tpu.memory_space<semaphore_mem>>)
      %dma_wait3A = tpu.memref_slice %arg7[%mul3A_2] : memref<16384xf32, #tpu.memory_space<hbm>> -> memref<512xf32, #tpu.memory_space<hbm>>
      %dma_wait3A_8 = tpu.memref_slice %arg7[%mul3A_2] : memref<16384xf32, #tpu.memory_space<hbm>> -> memref<512xf32, #tpu.memory_space<hbm>>
      tpu.wait_dma2 semaphore(%run_scoped3A : memref<!tpu.dma_semaphore, #tpu.memory_space<semaphore_mem>>) src(%arg13 : memref<512xf32, #tpu.memory_space<vmem>>) dst(%dma_wait3A_8 : memref<512xf32, #tpu.memory_space<hbm>>)
      tpu.yield
    }) : () -> ()
    return
  }
}

</mosaic_0001>

<sc_bundles>
// kernel: kernel.3.cloned.1.call-start
scs
__scs_entry_jumppad:
0x0: {  	(pc) =	sbr.rel $0x88, $3  }
0x1: {  	(tag) =	ssettag $0x0;
	lr =	simm.s32 $0x1  }
0x2: {  	[smem:$0x3F9C] =	sst lr;
	_ =	strace $0xD0000000  }
0x3: {  	_ = 	snop  }
0x4: {  	_ = 	snop  }
0x5: {  	_ = 	snop  }
0x6: {  	_ = 	snop  }
0x7: {  	_ = 	snop  }
__scs_overlays_trampoline_lowered:
0x8: {  	[smem:$0x3FAB] =	sst s0  }
0x9: {  	[smem:$0x3FAC] =	sst s1  }
0xa: {  	[smem:$0x3FAD] =	sst s2  }
0xb: {  	[smem:$0x3FAE] =	sst s3  }
0xc: {  	[smem:$0x3FAF] =	sst s4  }
0xd: {  	[smem:$0x3FB0] =	sst s5  }
0xe: {  	[smem:$0x3FB1] =	sst s6  }
0xf: {  	[smem:$0x3FB2] =	sst s7  }
0x10: {  	[smem:$0x3FB3] =	sst s8  }
0x11: {  	[smem:$0x3FB4] =	sst s9;
	s0 =	simm.s32 @!p0 $0x0  }
0x12: {  	s1 =	sld [smem:$0x3F9A];
	s0 =	simm.s32 @p0 $0x1  }
0x13: {  	[smem:$0x3FB5] =	sst s0;
	s0 =	simm.s32 @!p1 $0x0  }
0x14: {  	s2 =	sld [smem:$0x3F99];
	s0 =	simm.s32 @p1 $0x1  }
0x15: {  	[smem:$0x3FB6] =	sst s0;
	s0 =	simm.s32 @!p2 $0x0  }
0x16: {  	s3 =	sld [smem:$0x3FDB];
	s0 =	simm.s32 @p2 $0x1  }
0x17: {  	s4 =	simm.s32 $0x1BF5;
	[smem:$0x3FB8] =	sst s0  }
0x18: {  	s0 =	sld [smem:$0x3F9B];
	_ =	swait.ge [sflag:s4], $0x0  }
0x19: {  	s7 =	sld [smem:$0x3F9C]  }
0x1a: {  	s8 =	sadd.s32 $0xFFFFE003, lr  }
0x1b: {  	s9 =	sadd.s32 $0xFFFFFEF7, lr;
	s5 =	simm.s32 $0xFFFFFFFF;
	p2 =	slt.u32 s8, $0xFFFFF086  }
0x1c: {  	p1 =	slt.u32 s9, $0xF7A;
	s5 =	simm.s32 @!p2 $0x0  }
0x1d: {  	s5 =	simm.s32 @p1 $0x1;
	p0 =	seq.s32 s7, s2  }
0x1e: {  	s7 =	smul.u32 @!p0 $0xF7A, s2;
	p2 =	seq.s32 @!p0 s5, $0x0  }
0x1f: {  	s9 =	smul.u32 $0xF7A, s1;
	s8 =	simm.s32 @!p0 $0x1BF5;
	p2 =	por !p2, p0  }
0x20: {  	[sflag:s8] =	ssyncset.s32 @!p0 $0xFFFFF086;
	s6 =	sadd.s32 @!p0 s3, s7;
	s7 =	simm.s32 @!p0 $0x108  }
0x21: {  	s3 =	sadd.s32 s3, s9;
	s6 =	sadd.s32 @!p0 $0x88, s6;
	s7 =	simm.s32 @p2 $0x1082  }
0x22: {  	[simem:s7], [sflag:s8] =	dma.local @!p0 [hbm:s6], $0xF7A  }
0x23: {  	s9 =	sor.u32 $0xD0000000, s2;
	s6 =	simm.s32 $0x108;
	_ =	swait.ge @!p0 [sflag:s8], $0x0  }
0x24: {  	s3 =	sadd.s32 $0x88, s3;
	s6 =	simm.s32 @!p1 $0x1082;
	[sflag:s4] =	ssyncset.s32 $0xFFFFF086  }
0x25: {  	[simem:s6], [sflag:s4] =	dma.local [hbm:s3], $0xF7A  }
0x26: {  	[smem:$0x3F9C] =	sst s1;
	(tag) =	ssettag s2;
	_ =	strace s9  }
0x27: {  	s1 =	sld [smem:$0x3FAC]  }
0x28: {  	s2 =	sld [smem:$0x3FAD]  }
0x29: {  	s4 =	sld [smem:$0x3FAF]  }
0x2a: {  	p0 =	seq.s32 s5, $0x0;
	s5 =	sld [smem:$0x3FB0]  }
0x2b: {  	s6 =	sld [smem:$0x3FB1]  }
0x2c: {  	s7 =	sld [smem:$0x3FB2]  }
0x2d: {  	s3 =	simm.s32 $0x108;
	s8 =	sld [smem:$0x3FB3]  }
0x2e: {  	s3 =	simm.s32 @!p0 $0x1082;
	s9 =	sld [smem:$0x3FB4]  }
0x2f: {  	lr =	sadd.s32 s0, s3;
	s0 =	sld [smem:$0x3FAB]  }
0x30: {  	s3 =	sld [smem:$0x3FAE]  }
0x31: {  	[smem:$0x3FB7] =	sst s10  }
0x32: {  	s10 =	sld [smem:$0x3FB5];
	_ =	sdelay $0x3  }
0x33: {  	p0 =	seq.s32 s10, $0x1;
	s10 =	sld [smem:$0x3FB7];
	_ =	sdelay $0x3  }
0x34: {  	[smem:$0x3FB7] =	sst s10  }
0x35: {  	s10 =	sld [smem:$0x3FB6];
	_ =	sdelay $0x3  }
0x36: {  	p1 =	seq.s32 s10, $0x1;
	s10 =	sld [smem:$0x3FB7];
	_ =	sdelay $0x3  }
0x37: {  	[smem:$0x3FB7] =	sst s10  }
0x38: {  	s10 =	sld [smem:$0x3FB8]  }
0x39: {  	_ = 	snop;
	(pc) =	sbr.ind lr, $3  }
0x3a: {  	_ = 	snop  }
0x3b: {  	_ = 	snop  }
0x3c: {  	p2 =	seq.s32 s10, $0x1;
	s10 =	sld [smem:$0x3FB7]  }
0x3d: {  	_ =	shalt  }
0x3e: {  	_ =	shalt  }
0x3f: {  	_ =	shalt  }
0x40: {  	_ =	shalt  }
0x41: {  	_ =	shalt  }
0x42: {  	_ =	shalt  }
0x43: {  	_ =	shalt  }
0x44: {  	_ =	shalt  }
0x45: {  	_ =	shalt  }
0x46: {  	_ =	shalt  }
0x47: {  	_ =	shalt  }
0x48: {  	_ =	shalt  }
0x49: {  	_ =	shalt  }
0x4a: {  	_ =	shalt  }
0x4b: {  	_ =	shalt  }
0x4c: {  	_ =	shalt  }
0x4d: {  	_ =	shalt  }
0x4e: {  	_ =	shalt  }
0x4f: {  	_ =	shalt  }
0x50: {  	_ =	shalt  }
0x51: {  	_ =	shalt  }
0x52: {  	_ =	shalt  }
0x53: {  	_ =	shalt  }
0x54: {  	_ =	shalt  }
0x55: {  	_ =	shalt  }
0x56: {  	_ =	shalt  }
0x57: {  	_ =	shalt  }
0x58: {  	_ =	shalt  }
0x59: {  	_ =	shalt  }
0x5a: {  	_ =	shalt  }
0x5b: {  	_ =	shalt  }
0x5c: {  	_ =	shalt  }
0x5d: {  	_ =	shalt  }
0x5e: {  	_ =	shalt  }
0x5f: {  	_ =	shalt  }
0x60: {  	_ =	shalt  }
0x61: {  	_ =	shalt  }
0x62: {  	_ =	shalt  }
0x63: {  	_ =	shalt  }
0x64: {  	_ =	shalt  }
0x65: {  	_ =	shalt  }
0x66: {  	_ =	shalt  }
0x67: {  	_ =	shalt  }
0x68: {  	_ =	shalt  }
0x69: {  	_ =	shalt  }
0x6a: {  	_ =	shalt  }
0x6b: {  	_ =	shalt  }
0x6c: {  	_ =	shalt  }
0x6d: {  	_ =	shalt  }
0x6e: {  	_ =	shalt  }
0x6f: {  	_ =	shalt  }
0x70: {  	_ =	shalt  }
0x71: {  	_ =	shalt  }
0x72: {  	_ =	shalt  }
0x73: {  	_ =	shalt  }
0x74: {  	_ =	shalt  }
0x75: {  	_ =	shalt  }
0x76: {  	_ =	shalt  }
0x77: {  	_ =	shalt  }
0x78: {  	_ =	shalt  }
0x79: {  	_ =	shalt  }
0x7a: {  	_ =	shalt  }
0x7b: {  	_ =	shalt  }
0x7c: {  	_ =	shalt  }
0x7d: {  	_ =	shalt  }
0x7e: {  	_ =	shalt  }
0x7f: {  	_ =	shalt  }
0x80: {  	_ =	shalt  }
0x81: {  	_ =	shalt  }
0x82: {  	_ =	shalt  }
0x83: {  	_ =	shalt  }
0x84: {  	_ =	shalt  }
0x85: {  	_ =	shalt  }
0x86: {  	_ =	shalt  }
0x87: {  	_ =	shalt  }
.Lfunc_end0:
.L_simem_size_0:
called_computation_lowered:
.L_overlay_start_0:
0x88: {  	s2 =	sld [smem:$0x3FD9]  }
0x89: {  	s3 =	sld [smem:$0x3FFE];
	_ =	sdelay $0x1  }
0x8a: {  	s1 =	srdreg.scid  }
0x8b: {  	s0 =	sand.u32 $0x1, s1  }
0x8c: {  	s17 =	sshll.u32 s0, $0xA;
	s2 =	sadd.s32 s3, s2  }
0x8d: {  	s2 =	sadd.s32 s2, s17  }
0x8e: {  	[smem:$0x3FC3] =	sst s2  }
0x8f: {  	_ = 	snop  }
0x90: {  	s2 =	sld [smem:$0x3FC9]  }
0x91: {  	s18 =	sld [smem:$0x3FC8]  }
0x92: {  	s4 =	sld [smem:$0x3FC7]  }
0x93: {  	s5 =	sld [smem:$0x3FC6]  }
0x94: {  	s6 =	sld [smem:$0x3FD0];
	(tm) =	ssettm $0x1  }
0x95: {  	s7 =	sld [smem:$0x3FFB];
	_ =	sdelay $0x3  }
0x96: {  	_ =	strace s7  }
0x97: {  	s7 =	sld [smem:$0x3FFC];
	_ =	sdelay $0x3  }
0x98: {  	_ =	strace s7  }
0x99: {  	s7 =	sld [smem:$0x3FFD];
	_ =	sdelay $0x3  }
0x9a: {  	_ =	strace s7  }
0x9b: {  	_ =	strace $0x8FFFFFFF  }
0x9c: {  	s19 =	sld [smem:$0x3FDB];
	_ =	sdelay $0x1  }
0x9d: {  	s8 =	simm.s32 $_scs_section_size  }
0x9e: {  	s9 =	simm.s32 $_size__tile_overlayer_lowered;
	s10 =	simm.s32 $_tile_overlayer_lowered  }
0x9f: {  	s22 =	simm.s32 $0x1BFF;
	s21 =	sshll.u32 s10, $0x1;
	s7 =	sadd.s32 s8, s19  }
0xa0: {  	s11 =	simm.s32 $0x0;
	s20 =	sshll.u32 s9, $0x1;
	s9 =	sadd.s32 s21, s7  }
0xa1: {  	[timem:s11], [sflag:s22] =	dma.local [hbm:s9], s20  }
0xa2: {  	_ =	swait.ge [sflag:s22], s20  }
0xa3: {  	s8 =	ssub.s32 $0x0, s20;
	[sflag:s22] =	ssyncset.done $0x0  }
0xa4: {  	[sflag:s22] =	ssyncadd.s32 s8;
	_ =	sdelay $0x1  }
0xa5: {  	s23 =	simm.s32 $0x1B8B  }
0xa6: {  	_ =	swait.ge [sflag:s23], $0x1  }
0xa7: {  	[sflag:s23] =	ssyncset.done $0x0  }
0xa8: {  	s25 =	simm.s32 $0x1B8E;
	s24 =	sld [smem:$0x3FFE];
	[sflag:s23] =	ssyncadd.s32 $0xFFFFFFFF  }
0xa9: {  	s26 =	simm.s32 $execute0_lowered;
	[smem:$0x3FD2] =	sst s25  }
0xaa: {  	s9 =	sshll.u32 s26, $0x1;
	_ =	strace $0x80000046;
	[dreg:$0x1] =	wrdreg $0xFFFFFFFF  }
0xab: {  	s28 =	simm.s32 $_size_execute0_lowered;
	s7 =	sadd.s32 s7, s9;
	[dreg:$0x0] =	wrdreg $0x0  }
0xac: {  	s9 =	sshll.u32 s28, $0x1;
	[dreg:$0x2] =	wrdreg s7  }
0xad: {  	[dreg:$0x3] =	wrdreg s9  }
0xae: {  	[dreg:$0x4] =	wrdreg $0xC0  }
0xaf: {  	_ =	task [dreg:s11], $0x5FFFF  }
0xb0: {  	[dreg:$0x1] =	wrdreg $0xFFFFFFFF  }
0xb1: {  	[dreg:$0x0] =	wrdreg $0x60  }
0xb2: {  	[dreg:$0x2] =	wrdreg s2  }
0xb3: {  	[dreg:$0x3] =	wrdreg s18  }
0xb4: {  	[dreg:$0x4] =	wrdreg s4  }
0xb5: {  	[dreg:$0x5] =	wrdreg s5  }
0xb6: {  	[dreg:$0x6] =	wrdreg s24  }
0xb7: {  	[dreg:$0x7] =	wrdreg s6  }
0xb8: {  	[dreg:$0x8] =	wrdreg $0x9  }
0xb9: {  	_ =	task.clear_ibuf [dreg:s11], $0x9FFFF;
	_ =	strace $0x90000046  }
0xba: {  	s29 =	simm.s32 $0x9;
	_ =	strace $0x80000048  }
0xbb: {  	_ =	swait.ge [sflag:s29], $0x1  }
0xbc: {  	[sflag:s29] =	ssyncadd.s32 $0xFFFFFFFF  }
0xbd: {  	_ =	strace $0x90000048  }
0xbe: {  	_ =	sfence  }
0xbf: {  	s30 =	sld [smem:$0x0];
	_ =	sdelay $0x2  }
0xc0: {  	s31 =	sshll.u32 s1, $0xD;
	s1 =	sshrl.u32 s1, $0x2  }
0xc1: {  	s3 =	sand.u32 $0x4000, s31;
	s1 =	sadd.s32 s1, s30  }
0xc2: {  	s0 =	sor.u32 s3, s0;
	s1 =	sshll.u32 s1, $0x11  }
0xc3: {  	s0 =	sor.u32 s1, s0  }
0xc4: {  	s0 =	sadd.s32 $0x8F2B, s0  }
0xc5: {  	[sflag:s0] =	ssyncadd.remote.s32 $0x1  }
0xc6: {  	_ =	sfence.sel $0xFFFF  }
0xc7: {  	[dreg:$0x0] =	wrdreg $0xFFFFFFFF;
	(pc) =	sbr.abs _section_cstart, $3  }
0xc8: {  	[dreg:$0x1] =	wrdreg $0xFFFFFFFF  }
0xc9: {  	_ =	task.clear_ibuf [dreg:s11], $0x2FFFF;
	_ =	strace $0x9FFFFFFF  }
0xca: {  	(tm) =	ssettm $0x7FFFFFFF  }
0xcb: {  	_ =	shalt  }
tec
execute0_lowered:
.L_overlay_start_1:
0x0: {  	(tag) =	ssettag $0x1  }
0x1: {  	s6 =	rddreg [dreg:$0x0]  }
0x2: {  	s7 =	rddreg [dreg:$0x1]  }
0x3: {  	s1 =	rddreg [dreg:$0x2]  }
0x4: {  	s2 =	rddreg [dreg:$0x3]  }
0x5: {  	s5 =	rddreg [dreg:$0x4];
	v0 =	vlaneseq.u32  }
0x6: {  	s8 =	rddreg [dreg:$0x5];
	s3 =	simm.s32 $0x0;
	v1 =	vmul.u32 $0x400, v0  }
0x7: {  	[smem:$0x7FF] =	sst s3  }
0x8: {  	s0 =	rddreg [dreg:$0x6];
	_ =	strace $0x80000047;
	v2 =	vor.u32 $0x80, v1;
	[tilespmem:$0x1FFE0] =	vst v1  }
0x9: {  	[tilespmem:$0x1FF00] =	vst v2;
	v2 =	vor.u32 $0x100, v1  }
0xa: {  	[tilespmem:$0x1FF10] =	vst v2;
	v2 =	vor.u32 $0x180, v1  }
0xb: {  	[tilespmem:$0x1FF20] =	vst v2;
	v2 =	vor.u32 $0x200, v1  }
0xc: {  	[tilespmem:$0x1FF30] =	vst v2;
	v2 =	vor.u32 $0x280, v1  }
0xd: {  	[tilespmem:$0x1FF40] =	vst v2;
	v2 =	vor.u32 $0x300, v1  }
0xe: {  	[tilespmem:$0x1FF50] =	vst v2;
	v2 =	vor.u32 $0x380, v1  }
0xf: {  	[tilespmem:$0x1FF60] =	vst v2;
	v2 =	vor.u32 $0x4000, v1  }
0x10: {  	s4 =	srdreg.scid;
	[tilespmem:$0x1FF70] =	vst v2;
	v2 =	vor.u32 $0x4080, v1  }
0x11: {  	s13 =	simm.s32 $0x1;
	s14 =	simm.s32 $0x1400;
	s15 =	simm.s32 $0x9400;
	[tilespmem:$0x1FF80] =	vst v2;
	v2 =	vor.u32 $0x4100, v1  }
0x12: {  	s16 =	simm.s32 $0x11400;
	s17 =	simm.s32 $0x0;
	s9 =	sand.u32 $0x1, s4;
	[tilespmem:$0x1FF90] =	vst v2;
	v2 =	vor.u32 $0x4180, v1  }
0x13: {  	s4 =	stileid.u32;
	s5 =	sadd.s32 $0x400, s5;
	s10 =	ssub.s32 $0x2, s9;
	[tilespmem:$0x1FFA0] =	vst v2;
	v2 =	vor.u32 $0x4200, v1  }
0x14: {  	s12 =	sshll.u32 s4, $0x7;
	s9 =	sshll.u32 s9, $0x6;
	s11 =	sshrl.u32 s10, $0x1;
	[tilespmem:$0x1FFB0] =	vst v2;
	v2 =	vor.u32 $0x4280, v1  }
0x15: {  	s9 =	sor.u32 s9, s12;
	s12 =	simm.s32 $0x400;
	s10 =	ssub.s32 s10, s11;
	[tilespmem:$0x1FFC0] =	vst v2;
	v2 =	vor.u32 $0x4300, v1  }
0x16: {  	s6 =	sadd.s32 s6, s9;
	s7 =	sadd.s32 s7, s9;
	s8 =	sadd.s32 s8, s9;
	v1 =	vor.u32 $0x4380, v1;
	[tilespmem:$0x1FFD0] =	vst v2  }
0x17: {  	s11 =	simm.s32 $0x200;
	s9 =	smax.u32 s10, $0x1;
	s10 =	simm.s32 $0x2;
	[tilespmem:$0x1FFF0] =	vst v1  }
.LBB2_1:
0x18: {  	[tilespmem:s3], [sflag:$0x2] =	stream.linear.gather [hbm4b:s6+s3], $0x200, $0x38;
	[tilespmem:$0x11600] =	vst v63  }
0x19: {  	_ =	swait.ge [sflag:s10], $0x200  }
0x1a: {  	[sflag:s10] =	ssyncset.done $0x0  }
0x1b: {  	[sflag:s10] =	ssyncadd.s32 $0xFFFFFE00  }
0x1c: {  	[tilespmem:s11], [sflag:$0x2] =	stream.linear.gather [hbm4b:s7+s3], $0x200, $0x38;
	[tilespmem:$0x11600] =	vst v63  }
0x1d: {  	_ =	swait.ge [sflag:s10], $0x200  }
0x1e: {  	[sflag:s10] =	ssyncset.done $0x0  }
0x1f: {  	[sflag:s10] =	ssyncadd.s32 $0xFFFFFE00  }
0x20: {  	[tilespmem:s12], [sflag:$0x2] =	stream.linear.gather [hbm4b:s5+s3], $0x1000, $0x38;
	[tilespmem:$0x11600] =	vst v63  }
0x21: {  	_ =	swait.ge [sflag:s10], $0x1000  }
0x22: {  	[sflag:s10] =	ssyncset.done $0x0  }
0x23: {  	s18 =	simm.s32 $0x0;
	[sflag:s10] =	ssyncadd.s32 $0xFFFFF000  }
.LBB2_2:
0x24: {  	s19 =	sshll.u32 s18, $0x4  }
0x25: {  	v1 =	vld [tilespmem:s19+$0x0];
	_ =	sdelay $0x1  }
0x26: {  	s20 =	simm.s32 $0x0  }
0x27: {  	v2 =	vld [tilespmem:s19+$0x200];
	v3 =	vmov s20  }
0x28: {  	vm0 =	veq.s32 v3, v0  }
0x29: {  	v3 =	vnsel vm0, $0x0, v1  }
0x2a: {  	(xrf0) =	vadd.scan.msk.s32 $0xffff, v3;
	_ =	sdelay $0x1  }
0x2b: {  	s26 =	simm.s32 $0x1;
	v3 =	vnsel vm0, $0x0, v2  }
0x2c: {  	(xrf0) =	vadd.scan.msk.s32 $0xffff, v3;
	v3 =	vmov s26;
	_ =	sdelay $0x2  }
0x2d: {  	vm13 =	veq.s32 v3, v0;
	v3, _, _ =	vpop (xrf0)  }
0x2e: {  	(v2sf) =	vpush v3, $0xF  }
0x2f: {  	v4 =	vnsel vm13, $0x0, v1  }
0x30: {  	(xrf0) =	vadd.scan.msk.s32 $0xffff, v4  }
0x31: {  	v3, _, _ =	vpop (xrf0)  }
0x32: {  	(v2sf) =	vpush v3, $0xF;
	_ =	sdelay $0x2  }
0x33: {  	v60 =	vnsel vm13, $0x0, v2  }
0x34: {  	s28 =	simm.s32 $0x2;
	(xrf0) =	vadd.scan.msk.s32 $0xffff, v60;
	v3, _, _ =	vpop (xrf0)  }
0x35: {  	(v2sf) =	vpush v3, $0xF;
	v3 =	vmov s28  }
0x36: {  	vm14 =	veq.s32 v3, v0  }
0x37: {  	v3 =	vnsel vm14, $0x0, v1  }
0x38: {  	v61 =	vnsel vm14, $0x0, v2;
	(xrf0) =	vadd.scan.msk.s32 $0xffff, v3  }
0x39: {  	(xrf0) =	vadd.scan.msk.s32 $0xffff, v61  }
0x3a: {  	s22 =	simm.s32 $0x3;
	v62, _, _ =	vpop (xrf0)  }
0x3b: {  	v3 =	vmov s22;
	s29 =	spop (v2sf);
	(v2sf) =	vpush v62, $0xF;
	_ =	sdelay $0x2  }
0x3c: {  	s21 =	simm.s32 $0x1400;
	vm15 =	veq.s32 v3, v0;
	v3, _, _ =	vpop (xrf0)  }
0x3d: {  	s31 =	simm.s32 $0x5400;
	v63 =	vnsel vm15, $0x0, v1;
	v5, _, _ =	vpop (xrf0);
	s20 =	sand.u32 $0xFFFFF80, s29;
	s23 =	spop (v2sf);
	(v2sf) =	vpush v3, $0xF  }
0x3e: {  	s24 =	simm.s32 $0x4;
	(xrf0) =	vadd.scan.msk.s32 $0xffff, v63;
	s20 =	sadd.s32 s1, s20;
	s30 =	sand.u32 $0xFFFFF80, s23;
	(v2sf) =	vpush v5, $0xF  }
0x3f: {  	v6 =	vnsel vm15, $0x0, v2;
	[tilespmem:s21], [sflag:$0x1] =	stream.linear.gather [hbm4b:s20+s3], $0x400, $0x38;
	[tilespmem:$0x11600] =	vst v63  }
0x40: {  	s22 =	simm.s32 $0x9400;
	(xrf0) =	vadd.scan.msk.s32 $0xffff, v6;
	s20 =	sadd.s32 $0xF4280, s20;
	s25 =	sadd.s32 s2, s30  }
0x41: {  	[tilespmem:s31], [sflag:$0x1] =	stream.linear.gather [hbm4b:s20+s3], $0x400, $0x38;
	[tilespmem:$0x11600] =	vst v63  }
0x42: {  	s21 =	simm.s32 $0x1800;
	s23 =	spop (v2sf);
	s20 =	simm.s32 $0x9800  }
.LBB2_3:
0x43: {  	[tilespmem:s22], [sflag:$0x1] =	stream.linear.gather [hbm4b:s25+s3], $0x400, $0x38;
	[tilespmem:$0x11600] =	vst v63  }
0x44: {  	s26 =	smov.u32 s24  }
0x45: {  	v5 =	vmov s24;
	v4, _, _ =	vpop (xrf0);
	s28 =	sadd.s32 $0x1, s24;
	s26 =	smov.u32 s22;
	s22 =	smov.u32 s20  }
0x46: {  	s25 =	sadd.s32 $0xF4280, s25;
	s23 =	sand.u32 $0xFFFFF80, s23;
	vm0 =	veq.s32 v5, v0;
	v3, _, _ =	vpop (xrf0);
	s26 =	sadd.s32 $0x4000, s26  }
0x47: {  	v5 =	vnsel vm0, $0x0, v1;
	v6 =	vnsel vm0, $0x0, v2;
	(v2sf) =	vpush v4, $0xF;
	[tilespmem:s26], [sflag:$0x1] =	stream.linear.gather [hbm4b:s25+s3], $0x400, $0x38;
	[tilespmem:$0x11600] =	vst v63  }
0x48: {  	p0 =	sne.s32 s24, $0xF;
	s23 =	sadd.s32 s1, s23;
	(xrf0) =	vadd.scan.msk.s32 $0xffff, v5;
	s24 =	spop (v2sf)  }
.Ltmp0:
0x49: {  	s20 =	sadd.s32 $0x400, s20;
	(xrf0) =	vadd.scan.msk.s32 $0xffff, v6;
	s24 =	sand.u32 $0xFFFFF80, s24;
	(pc) =	sbr.rel @p0 .LBB2_3-.Ltmp0, $4  }
0x4a: {  	[tilespmem:s21], [sflag:$0x1] =	stream.linear.gather [hbm4b:s23+s3], $0x400, $0x38;
	[tilespmem:$0x11600] =	vst v63  }
0x4b: {  	s26 =	sadd.s32 $0x4000, s21;
	s23 =	sadd.s32 $0xF4280, s23;
	s25 =	sadd.s32 s2, s24;
	(v2sf) =	vpush v3, $0xF  }
0x4c: {  	[tilespmem:s26], [sflag:$0x1] =	stream.linear.gather [hbm4b:s23+s3], $0x400, $0x38;
	[tilespmem:$0x11600] =	vst v63  }
0x4d: {  	s21 =	sadd.s32 $0x400, s21;
	s24 =	smov.u32 s28;
	s23 =	spop (v2sf)  }
0x4e: {  	[tilespmem:s22], [sflag:$0x1] =	stream.linear.gather [hbm4b:s25+s3], $0x400, $0x38;
	[tilespmem:$0x11600] =	vst v63  }
0x4f: {  	s24 =	sadd.s32 $0xF4280, s25;
	s28 =	sadd.s32 $0x4000, s22;
	s29 =	sand.u32 $0xFFFFF80, s23  }
0x50: {  	v1, _, _ =	vpop (xrf0);
	[tilespmem:s28], [sflag:$0x1] =	stream.linear.gather [hbm4b:s24+s3], $0x400, $0x38;
	[tilespmem:$0x11600] =	vst v63  }
0x51: {  	s30 =	spop (v2sf);
	(v2sf) =	vpush v1, $0xF;
	s22 =	sadd.s32 s1, s29  }
0x52: {  	[tilespmem:s21], [sflag:$0x1] =	stream.linear.gather [hbm4b:s22+s3], $0x400, $0x38;
	[tilespmem:$0x11600] =	vst v63  }
0x53: {  	s31 =	sadd.s32 $0x4000, s21;
	v1, _, _ =	vpop (xrf0);
	s23 =	sand.u32 $0xFFFFF80, s30;
	s22 =	sadd.s32 $0xF4280, s22  }
0x54: {  	(v2sf) =	vpush v1, $0xF;
	[tilespmem:s31], [sflag:$0x1] =	stream.linear.gather [hbm4b:s22+s3], $0x400, $0x38;
	[tilespmem:$0x11600] =	vst v63  }
0x55: {  	s24 =	sadd.s32 s2, s23  }
0x56: {  	[tilespmem:s20], [sflag:$0x1] =	stream.linear.gather [hbm4b:s24+s3], $0x400, $0x38;
	[tilespmem:$0x11600] =	vst v63  }
0x57: {  	s25 =	spop (v2sf)  }
0x58: {  	s26 =	sadd.s32 $0x4000, s20;
	s22 =	sadd.s32 $0xF4280, s24;
	s28 =	sand.u32 $0xFFFFF80, s25  }
0x59: {  	[tilespmem:s26], [sflag:$0x1] =	stream.linear.gather [hbm4b:s22+s3], $0x400, $0x38;
	[tilespmem:$0x11600] =	vst v63  }
0x5a: {  	s21 =	sadd.s32 $0x400, s21;
	s22 =	sadd.s32 s1, s28;
	s29 =	spop (v2sf)  }
0x5b: {  	[tilespmem:s21], [sflag:$0x1] =	stream.linear.gather [hbm4b:s22+s3], $0x400, $0x38;
	[tilespmem:$0x11600] =	vst v63  }
0x5c: {  	s30 =	sadd.s32 $0x4000, s21;
	s22 =	sadd.s32 $0xF4280, s22;
	s23 =	sand.u32 $0xFFFFF80, s29  }
0x5d: {  	[tilespmem:s30], [sflag:$0x1] =	stream.linear.gather [hbm4b:s22+s3], $0x400, $0x38;
	[tilespmem:$0x11600] =	vst v63  }
0x5e: {  	s31 =	sadd.s32 $0x400, s20;
	s25 =	sadd.s32 s2, s23  }
0x5f: {  	[tilespmem:s31], [sflag:$0x1] =	stream.linear.gather [hbm4b:s25+s3], $0x400, $0x38;
	[tilespmem:$0x11600] =	vst v63  }
0x60: {  	s26 =	spop (v2sf)  }
0x61: {  	s28 =	sadd.s32 $0x4000, s31;
	s22 =	sadd.s32 $0xF4280, s25;
	s29 =	sand.u32 $0xFFFFF80, s26  }
0x62: {  	[tilespmem:s28], [sflag:$0x1] =	stream.linear.gather [hbm4b:s22+s3], $0x400, $0x38;
	[tilespmem:$0x11600] =	vst v63  }
0x63: {  	s21 =	sadd.s32 $0x400, s21;
	s30 =	spop (v2sf);
	s22 =	sadd.s32 s1, s29  }
0x64: {  	[tilespmem:s21], [sflag:$0x1] =	stream.linear.gather [hbm4b:s22+s3], $0x400, $0x38;
	[tilespmem:$0x11600] =	vst v63  }
0x65: {  	s23 =	sand.u32 $0xFFFFF80, s30;
	s22 =	sadd.s32 $0xF4280, s22;
	s21 =	sadd.s32 $0x4000, s21  }
0x66: {  	[tilespmem:s21], [sflag:$0x1] =	stream.linear.gather [hbm4b:s22+s3], $0x400, $0x38;
	[tilespmem:$0x11600] =	vst v63  }
0x67: {  	s20 =	sadd.s32 $0x400, s31;
	s31 =	sadd.s32 s2, s23  }
0x68: {  	[tilespmem:s20], [sflag:$0x1] =	stream.linear.gather [hbm4b:s31+s3], $0x400, $0x38;
	[tilespmem:$0x11600] =	vst v63  }
0x69: {  	s21 =	sadd.s32 $0xF4280, s31;
	s20 =	sadd.s32 $0x4000, s20  }
0x6a: {  	[tilespmem:s20], [sflag:$0x1] =	stream.linear.gather [hbm4b:s21+s3], $0x400, $0x38;
	[tilespmem:$0x11600] =	vst v63  }
0x6b: {  	_ =	swait.ge [sflag:s13], $0x8000  }
0x6c: {  	[sflag:s13] =	ssyncset.done $0x0  }
0x6d: {  	[sflag:s13] =	ssyncadd.s32 $0xFFFF8000  }
0x6e: {  	_ =	swait.ge [sflag:s13], $0x8000  }
0x6f: {  	[sflag:s13] =	ssyncset.done $0x0  }
0x70: {  	[sflag:s13] =	ssyncadd.s32 $0xFFFF8000  }
0x71: {  	v1 =	vld [tilespmem:s19+$0x0]  }
0x72: {  	v7 =	vld [tilespmem:$0x1FFE0];
	_ =	sdelay $0x3  }
0x73: {  	v20 =	vand.u32 $0x7F, v1  }
0x74: {  	v1 =	vor.u32 v7, v20;
	_ =	sdelay $0x3  }
0x75: {  	v12 =	vld [tilespmem:$0x1FF40]  }
0x76: {  	v1 =	vld.idx.msk [tilespmem:v1+s14+$0x0], $0xffff;
	_ =	sdelay $0x4  }
0x77: {  	[tilespmem:$0x1FAB0] =	vst v1;
	v1 =	vor.u32 v12, v20;
	_ =	sdelay $0x3  }
0x78: {  	v17 =	vld [tilespmem:$0x1FF90]  }
0x79: {  	v1 =	vld.idx.msk [tilespmem:v1+s14+$0x0], $0xffff;
	_ =	sdelay $0x4  }
0x7a: {  	[tilespmem:$0x1FE00] =	vst v1;
	v1 =	vor.u32 v17, v20;
	_ =	sdelay $0x2  }
0x7b: {  	v9 =	vld [tilespmem:$0x1FF10]  }
0x7c: {  	v5 =	vld [tilespmem:s19+$0x200]  }
0x7d: {  	v1 =	vld.idx.msk [tilespmem:v1+s14+$0x0], $0xffff;
	_ =	sdelay $0x3  }
0x7e: {  	v5 =	vand.u32 $0x7F, v5  }
0x7f: {  	v14 =	vld [tilespmem:$0x1FF60];
	[tilespmem:$0x1FED0] =	vst v1;
	v1 =	vor.u32 v9, v5;
	_ =	sdelay $0x3  }
0x80: {  	v19 =	vld [tilespmem:$0x1FFB0]  }
0x81: {  	v32 =	vld.idx.msk [tilespmem:v1+s15+$0x0], $0xffff;
	v1 =	vor.u32 v14, v5;
	_ =	sdelay $0x4  }
0x82: {  	v27 =	vld.idx.msk [tilespmem:v1+s15+$0x0], $0xffff;
	v1 =	vor.u32 v19, v5;
	_ =	sdelay $0x4  }
0x83: {  	v22 =	vld.idx.msk [tilespmem:v1+s15+$0x0], $0xffff  }
0x84: {  	v1 =	vld [tilespmem:$0x4E0];
	_ =	sdelay $0x4  }
0x85: {  	[tilespmem:$0x1FA30] =	vst v1;
	v1 =	vld [tilespmem:$0x4F0];
	_ =	sdelay $0x4  }
0x86: {  	[tilespmem:$0x1FA50] =	vst v1;
	v1 =	vld [tilespmem:$0x5D0];
	_ =	sdelay $0x4  }
0x87: {  	[tilespmem:$0x1FA40] =	vst v1;
	v1 =	vld [tilespmem:$0x5E0];
	_ =	sdelay $0x4  }
0x88: {  	[tilespmem:$0x1FA60] =	vst v1;
	v1 =	vld [tilespmem:$0x5F0];
	_ =	sdelay $0x4  }
0x89: {  	[tilespmem:$0x1FA90] =	vst v1;
	v1 =	vld [tilespmem:$0x690];
	_ =	sdelay $0x4  }
0x8a: {  	[tilespmem:$0x1FA70] =	vst v1;
	v1 =	vld [tilespmem:$0x6A0];
	_ =	sdelay $0x4  }
0x8b: {  	[tilespmem:$0x1FA80] =	vst v1;
	v1 =	vld [tilespmem:$0x6B0];
	_ =	sdelay $0x4  }
0x8c: {  	[tilespmem:$0x1FAC0] =	vst v1;
	v1 =	vld [tilespmem:$0x6C0];
	_ =	sdelay $0x4  }
0x8d: {  	[tilespmem:$0x1FB00] =	vst v1;
	v1 =	vld [tilespmem:$0x6D0];
	_ =	sdelay $0x4  }
0x8e: {  	[tilespmem:$0x1FB60] =	vst v1;
	v1 =	vld [tilespmem:$0x6E0];
	_ =	sdelay $0x4  }
0x8f: {  	[tilespmem:$0x1FB90] =	vst v1;
	v1 =	vld [tilespmem:$0x6F0];
	_ =	sdelay $0x4  }
0x90: {  	[tilespmem:$0x1FBD0] =	vst v1;
	v1 =	vld [tilespmem:$0x770];
	_ =	sdelay $0x4  }
0x91: {  	[tilespmem:$0x1FAA0] =	vst v1;
	v1 =	vld [tilespmem:$0x780];
	_ =	sdelay $0x4  }
0x92: {  	[tilespmem:$0x1FAD0] =	vst v1;
	v1 =	vld [tilespmem:$0x790];
	_ =	sdelay $0x4  }
0x93: {  	[tilespmem:$0x1FB10] =	vst v1;
	v1 =	vld [tilespmem:$0x7A0];
	_ =	sdelay $0x4  }
0x94: {  	[tilespmem:$0x1FB40] =	vst v1;
	v1 =	vld [tilespmem:$0x7B0];
	_ =	sdelay $0x4  }
0x95: {  	[tilespmem:$0x1FB70] =	vst v1;
	v1 =	vld [tilespmem:$0x7C0];
	_ =	sdelay $0x4  }
0x96: {  	[tilespmem:$0x1FBA0] =	vst v1;
	v1 =	vld [tilespmem:$0x7D0];
	_ =	sdelay $0x4  }
0x97: {  	[tilespmem:$0x1FBE0] =	vst v1;
	v1 =	vld [tilespmem:$0x7E0];
	_ =	sdelay $0x4  }
0x98: {  	[tilespmem:$0x1FC10] =	vst v1;
	v1 =	vld [tilespmem:$0x7F0];
	_ =	sdelay $0x4  }
0x99: {  	[tilespmem:$0x1FC50] =	vst v1;
	v1 =	vld [tilespmem:$0x800];
	_ =	sdelay $0x4  }
0x9a: {  	[tilespmem:$0x1FAE0] =	vst v1;
	v1 =	vld [tilespmem:$0x810];
	_ =	sdelay $0x4  }
0x9b: {  	[tilespmem:$0x1FAF0] =	vst v1;
	v1 =	vld [tilespmem:$0x820]  }
0x9c: {  	v8 =	vld [tilespmem:$0x1FF00]  }
0x9d: {  	v10 =	vld [tilespmem:$0x1FF20]  }
0x9e: {  	v11 =	vld [tilespmem:$0x1FF30]  }
0x9f: {  	v13 =	vld [tilespmem:$0x1FF50]  }
0xa0: {  	[tilespmem:$0x1FB30] =	vst v1;
	v1 =	vld [tilespmem:$0x830]  }
0xa1: {  	v15 =	vld [tilespmem:$0x1FF70]  }
0xa2: {  	v16 =	vld [tilespmem:$0x1FF80]  }
0xa3: {  	v18 =	vld [tilespmem:$0x1FFA0]  }
0xa4: {  	v48 =	vld [tilespmem:$0x1FFF0]  }
0xa5: {  	[tilespmem:$0x1FB50] =	vst v1;
	v1 =	vld [tilespmem:$0x840]  }
0xa6: {  	v39 =	vld [tilespmem:$0x400]  }
0xa7: {  	v49 =	vld [tilespmem:$0x440]  }
0xa8: {  	v50 =	vld [tilespmem:$0x450]  }
0xa9: {  	v55 =	vld [tilespmem:$0x460]  }
0xaa: {  	[tilespmem:$0x1FB80] =	vst v1;
	v1 =	vld [tilespmem:$0x850]  }
0xab: {  	v59 =	vld [tilespmem:$0x470]  }
0xac: {  	v37 =	vld [tilespmem:$0x4A0]  }
0xad: {  	v57 =	vld [tilespmem:$0x4C0]  }
0xae: {  	v61 =	vld [tilespmem:$0x4D0]  }
0xaf: {  	[tilespmem:$0x1FBB0] =	vst v1;
	v1 =	vld [tilespmem:$0x860]  }
0xb0: {  	v56 =	vld [tilespmem:$0x500];
	v3 =	vor.u32 v9, v20  }
0xb1: {  	v60 =	vld [tilespmem:$0x510]  }
0xb2: {  	v35 =	vld [tilespmem:$0x590]  }
0xb3: {  	v53 =	vld [tilespmem:$0x5C0];
	v2 =	vor.u32 v8, v20  }
0xb4: {  	[tilespmem:$0x1FBC0] =	vst v1;
	v1 =	vld [tilespmem:$0x870]  }
0xb5: {  	v3 =	vld.idx.msk [tilespmem:v3+s14+$0x0], $0xffff  }
0xb6: {  	v36 =	vld [tilespmem:$0x630]  }
0xb7: {  	v52 =	vld [tilespmem:$0x660]  }
0xb8: {  	v2 =	vld.idx.msk [tilespmem:v2+s14+$0x0], $0xffff  }
0xb9: {  	[tilespmem:$0x1FBF0] =	vst v1;
	v1 =	vld [tilespmem:$0x880]  }
0xba: {  	v58 =	vld [tilespmem:$0x670];
	[tilespmem:$0x1FC20] =	vst v3;
	v3 =	vor.u32 v14, v20  }
0xbb: {  	v63 =	vld [tilespmem:$0x680]  }
0xbc: {  	v38 =	vld [tilespmem:$0x720]  }
0xbd: {  	v51 =	vld [tilespmem:$0x740];
	[tilespmem:$0x1FB20] =	vst v2;
	v2 =	vor.u32 v13, v20  }
0xbe: {  	[tilespmem:$0x1FC00] =	vst v1;
	v1 =	vld [tilespmem:$0x890]  }
0xbf: {  	v3 =	vld.idx.msk [tilespmem:v3+s14+$0x0], $0xffff  }
0xc0: {  	v54 =	vld [tilespmem:$0x750]  }
0xc1: {  	v62 =	vld [tilespmem:$0x760];
	v4 =	vor.u32 v10, v20  }
0xc2: {  	v6 =	vor.u32 v11, v20;
	v2 =	vld.idx.msk [tilespmem:v2+s14+$0x0], $0xffff  }
0xc3: {  	[tilespmem:$0x1FC30] =	vst v1;
	v1 =	vld [tilespmem:$0x8A0]  }
0xc4: {  	v42 =	vor.u32 v7, v5;
	v7 =	vld [tilespmem:$0x550];
	[tilespmem:$0x1FE90] =	vst v3;
	v3 =	vor.u32 v19, v20  }
0xc5: {  	v43 =	vor.u32 v8, v5;
	v8 =	vld [tilespmem:$0x560]  }
0xc6: {  	v4 =	vld.idx.msk [tilespmem:v4+s14+$0x0], $0xffff  }
0xc7: {  	v6 =	vld.idx.msk [tilespmem:v6+s14+$0x0], $0xffff;
	[tilespmem:$0x1FE80] =	vst v2;
	v2 =	vor.u32 v18, v20  }
0xc8: {  	[tilespmem:$0x1FC60] =	vst v1;
	v1 =	vld [tilespmem:$0x8B0]  }
0xc9: {  	v44 =	vor.u32 v12, v5;
	v3 =	vld.idx.msk [tilespmem:v3+s14+$0x0], $0xffff  }
0xca: {  	v45 =	vor.u32 v13, v5;
	v34 =	vld.idx.msk [tilespmem:v42+s15+$0x0], $0xffff  }
0xcb: {  	v46 =	vor.u32 v17, v5;
	v33 =	vld.idx.msk [tilespmem:v43+s15+$0x0], $0xffff  }
0xcc: {  	v2 =	vld.idx.msk [tilespmem:v2+s14+$0x0], $0xffff  }
0xcd: {  	[tilespmem:$0x1FC80] =	vst v1;
	v1 =	vld [tilespmem:$0x8C0]  }
0xce: {  	v29 =	vld.idx.msk [tilespmem:v44+s15+$0x0], $0xffff;
	[tilespmem:$0x1FEF0] =	vst v3;
	v3 =	vor.u32 v11, v5  }
0xcf: {  	v40 =	vor.u32 v15, v20;
	v28 =	vld.idx.msk [tilespmem:v45+s15+$0x0], $0xffff  }
0xd0: {  	v41 =	vor.u32 v16, v20;
	v24 =	vld.idx.msk [tilespmem:v46+s15+$0x0], $0xffff  }
0xd1: {  	v43 =	vld [tilespmem:$0x420];
	[tilespmem:$0x1FEE0] =	vst v2;
	v2 =	vor.u32 v10, v5  }
0xd2: {  	[tilespmem:$0x1FC90] =	vst v1;
	v1 =	vld [tilespmem:$0x8D0]  }
0xd3: {  	v30 =	vld.idx.msk [tilespmem:v3+s15+$0x0], $0xffff;
	v3 =	vor.u32 v16, v5  }
0xd4: {  	[tilespmem:$0x1FCB0] =	vst v4;
	v4 =	vld.idx.msk [tilespmem:v40+s14+$0x0], $0xffff  }
0xd5: {  	[tilespmem:$0x1FD90] =	vst v6;
	v6 =	vld.idx.msk [tilespmem:v41+s14+$0x0], $0xffff  }
0xd6: {  	v31 =	vld.idx.msk [tilespmem:v2+s15+$0x0], $0xffff;
	v2 =	vor.u32 v15, v5  }
0xd7: {  	[tilespmem:$0x1FCD0] =	vst v1;
	v1 =	vld [tilespmem:$0x8E0]  }
0xd8: {  	v25 =	vld.idx.msk [tilespmem:v3+s15+$0x0], $0xffff  }
0xd9: {  	v3 =	vld [tilespmem:$0x1FFD0]  }
0xda: {  	v47 =	vor.u32 v18, v5;
	v41 =	vld [tilespmem:$0x410]  }
0xdb: {  	v26 =	vld.idx.msk [tilespmem:v2+s15+$0x0], $0xffff  }
0xdc: {  	[tilespmem:$0x1FD00] =	vst v1;
	v1 =	vld [tilespmem:$0x8F0]  }
0xdd: {  	[tilespmem:$0x1FEB0] =	vst v4;
	v4 =	vor.u32 v48, v5;
	v2 =	vld [tilespmem:$0x1FFC0]  }
0xde: {  	v44 =	vld [tilespmem:$0x430];
	v3 =	vor.u32 v3, v5  }
0xdf: {  	v23 =	vld.idx.msk [tilespmem:v47+s15+$0x0], $0xffff;
	v39 =	vmul.f32 v39, v34;
	v41 =	vmul.f32 v41, v33  }
0xe0: {  	v42 =	vld [tilespmem:$0x5A0]  }
0xe1: {  	v47 =	vld [tilespmem:$0x5B0];
	v43 =	vmul.f32 v43, v32;
	[tilespmem:$0x1FD40] =	vst v1;
	v1 =	vadd.f32 v41, v39  }
0xe2: {  	v18 =	vld.idx.msk [tilespmem:v4+s15+$0x0], $0xffff;
	v2 =	vor.u32 v2, v5  }
0xe3: {  	v19 =	vld.idx.msk [tilespmem:v3+s15+$0x0], $0xffff;
	v3 =	vadd.f32 v43, v1;
	v43 =	vmul.f32 v44, v31  }
0xe4: {  	v4 =	vld [tilespmem:$0x520]  }
0xe5: {  	v3 =	vadd.f32 v43, v3;
	v43 =	vmul.f32 v49, v30;
	v49 =	vld [tilespmem:$0x950]  }
0xe6: {  	v5 =	vld [tilespmem:$0x530]  }
0xe7: {  	v21 =	vld.idx.msk [tilespmem:v2+s15+$0x0], $0xffff;
	v2 =	vmul.f32 v56, v34;
	v1 =	vmul.f32 v60, v33  }
0xe8: {  	v45 =	vld [tilespmem:$0x640]  }
0xe9: {  	[tilespmem:$0x1FEC0] =	vst v6;
	v6 =	vld [tilespmem:$0x540];
	v1 =	vadd.f32 v1, v2;
	v2 =	vmul.f32 v4, v32  }
0xea: {  	v3 =	vadd.f32 v43, v3;
	v43 =	vld [tilespmem:$0x970];
	[tilespmem:$0x1FC40] =	vst v49;
	v49 =	vmul.f32 v50, v29  }
0xeb: {  	v13 =	vld [tilespmem:$0x480];
	v1 =	vadd.f32 v2, v1  }
0xec: {  	v2 =	vmul.f32 v5, v31;
	v3 =	vadd.f32 v49, v3;
	v49 =	vmul.f32 v55, v28;
	v55 =	vld [tilespmem:$0x990]  }
0xed: {  	v40 =	vld [tilespmem:$0x4B0]  }
0xee: {  	v15 =	vld [tilespmem:$0x490];
	v1 =	vadd.f32 v2, v1;
	v2 =	vmul.f32 v6, v30  }
0xef: {  	v10 =	vld [tilespmem:$0x610];
	[tilespmem:$0x1FCA0] =	vst v43;
	v43 =	vmul.f32 v59, v27;
	v3 =	vadd.f32 v49, v3  }
0xf0: {  	v9 =	vld [tilespmem:$0x570];
	v1 =	vadd.f32 v2, v1;
	v2 =	vmul.f32 v7, v29  }
0xf1: {  	v11 =	vld [tilespmem:$0x600];
	v3 =	vadd.f32 v43, v3;
	[tilespmem:$0x1FCE0] =	vst v55;
	v55 =	vmul.f32 v13, v26  }
0xf2: {  	v12 =	vld [tilespmem:$0x580];
	v1 =	vadd.f32 v2, v1;
	v2 =	vmul.f32 v8, v28  }
0xf3: {  	v59 =	vld [tilespmem:$0x9C0];
	v43 =	vmul.f32 v15, v25;
	v3 =	vadd.f32 v55, v3  }
0xf4: {  	v14 =	vld [tilespmem:$0x620];
	v10 =	vmul.f32 v10, v33;
	v1 =	vadd.f32 v2, v1  }
0xf5: {  	v49 =	vld [tilespmem:$0x9A0];
	v2 =	vmul.f32 v9, v27;
	v55 =	vmul.f32 v37, v24;
	v3 =	vadd.f32 v43, v3  }
0xf6: {  	v17 =	vld [tilespmem:$0x710];
	v9 =	vmul.f32 v11, v34;
	v11 =	vmul.f32 v35, v25  }
0xf7: {  	v46 =	vld [tilespmem:$0x730];
	v1 =	vadd.f32 v2, v1;
	v2 =	vmul.f32 v40, v23;
	v3 =	vadd.f32 v55, v3  }
0xf8: {  	v35 =	vmul.f32 v36, v31;
	[tilespmem:$0x1FD50] =	vst v59;
	v13 =	vld [tilespmem:$0x9D0];
	v59 =	vmul.f32 v12, v26  }
0xf9: {  	v16 =	vld [tilespmem:$0x700];
	v12 =	vmul.f32 v14, v32;
	v2 =	vadd.f32 v2, v3;
	v3 =	vadd.f32 v10, v9  }
0xfa: {  	v15 =	vmul.f32 v42, v24;
	v42 =	vmul.f32 v61, v21;
	[tilespmem:$0x1FCF0] =	vst v49;
	v49 =	vld [tilespmem:$0x9E0]  }
0xfb: {  	v61 =	vmul.f32 v17, v33;
	v17 =	vmul.f32 v38, v32;
	v38 =	vld [tilespmem:$0x1FA30];
	v3 =	vadd.f32 v12, v3  }
0xfc: {  	v40 =	vld [tilespmem:$0xA70];
	v1 =	vadd.f32 v59, v1  }
0xfd: {  	v45 =	vmul.f32 v45, v30;
	[tilespmem:$0x1FD80] =	vst v13;
	v13 =	vld [tilespmem:$0xA40];
	v3 =	vadd.f32 v35, v3  }
0xfe: {  	v14 =	vmul.f32 v57, v22;
	v1 =	vadd.f32 v11, v1;
	v11 =	vld [tilespmem:$0x1FA60]  }
0xff: {  	v37 =	vmul.f32 v47, v23;
	[tilespmem:$0x1FDB0] =	vst v49;
	v49 =	vmul.f32 v16, v34;
	v3 =	vadd.f32 v45, v3;
	v45 =	vld [tilespmem:$0x1FA40]  }
0x100: {  	v5 =	vmul.f32 v38, v19;
	v38 =	vld [tilespmem:$0x1FA90];
	v1 =	vadd.f32 v15, v1;
	v2 =	vadd.f32 v14, v2  }
0x101: {  	v16 =	vadd.f32 v61, v49;
	v12 =	vld [tilespmem:$0xA90]  }
0x102: {  	v1 =	vadd.f32 v37, v1;
	[tilespmem:$0x1FD10] =	vst v13;
	v13 =	vmul.f32 v53, v22;
	v2 =	vadd.f32 v42, v2;
	v42 =	vld [tilespmem:$0xAD0]  }
0x103: {  	v48 =	vld [tilespmem:$0x650];
	[tilespmem:$0x1FD60] =	vst v40;
	v40 =	vmul.f32 v46, v31;
	v4 =	vadd.f32 v17, v16  }
0x104: {  	v36 =	vld [tilespmem:$0xA60];
	v1 =	vadd.f32 v13, v1;
	v6 =	vmul.f32 v45, v21  }
0x105: {  	v47 =	vld [tilespmem:$0xA80];
	v4 =	vadd.f32 v40, v4  }
0x106: {  	v40 =	vmul.f32 v38, v18;
	v38 =	vld [tilespmem:$0x1FB20];
	[tilespmem:$0x1FDA0] =	vst v12;
	v12 =	vmul.f32 v11, v19;
	v1 =	vadd.f32 v6, v1  }
0x107: {  	[tilespmem:$0x1FE10] =	vst v42;
	v42 =	vld [tilespmem:$0x1FAA0]  }
0x108: {  	v15 =	vld [tilespmem:$0xAA0];
	v14 =	vmul.f32 v48, v29;
	v1 =	vadd.f32 v12, v1  }
0x109: {  	v49 =	vld [tilespmem:$0xAF0];
	v48 =	vmul.f32 v51, v30  }
0x10a: {  	[tilespmem:$0x1FD30] =	vst v36;
	v36 =	vmul.f32 v52, v28;
	v35 =	vld [tilespmem:$0xAB0];
	v3 =	vadd.f32 v14, v3;
	v1 =	vadd.f32 v40, v1  }
0x10b: {  	v46 =	vmul.f32 v58, v27;
	v58 =	vmul.f32 v54, v29;
	v13 =	vld [tilespmem:$0x1FA70];
	v4 =	vadd.f32 v48, v4  }
0x10c: {  	v3 =	vadd.f32 v36, v3;
	v45 =	vmul.f32 v42, v27;
	v42 =	vmul.f32 v1, v38;
	v1 =	vld [tilespmem:$0x1FB30]  }
0x10d: {  	[tilespmem:$0x1FDC0] =	vst v15;
	v15 =	vmul.f32 v62, v28;
	v16 =	vld [tilespmem:$0x1FA80];
	v4 =	vadd.f32 v58, v4  }
0x10e: {  	v52 =	vmul.f32 v63, v26;
	[tilespmem:$0x1FD70] =	vst v47;
	v47 =	vld [tilespmem:$0xAE0];
	v51 =	vadd.f32 v46, v3  }
0x10f: {  	v48 =	vld [tilespmem:$0x1FAC0];
	[tilespmem:$0x1FDE0] =	vst v35;
	v35 =	vadd.f32 v15, v4  }
0x110: {  	v14 =	vmul.f32 v13, v25;
	v6 =	vadd.f32 v52, v51  }
0x111: {  	[tilespmem:$0x1FE50] =	vst v49;
	v49 =	vadd.f32 v45, v35;
	v45 =	vmul.f32 v1, v32;
	v1 =	vld [tilespmem:$0x1FB40]  }
0x112: {  	v17 =	vmul.f32 v16, v24;
	v6 =	vadd.f32 v14, v6;
	_ =	sdelay $0x1  }
0x113: {  	[tilespmem:$0x1FE30] =	vst v47;
	v47 =	vadd.f32 v17, v6;
	v6 =	vmul.f32 v48, v23;
	_ =	sdelay $0x1  }
0x114: {  	v6 =	vadd.f32 v6, v47;
	v47 =	vmul.f32 v1, v24;
	v1 =	vld [tilespmem:$0x1FB50];
	_ =	sdelay $0x4  }
0x115: {  	v48 =	vmul.f32 v1, v31;
	v1 =	vld [tilespmem:$0xBC0];
	_ =	sdelay $0x2  }
0x116: {  	v53 =	vld [tilespmem:$0x1FA50]  }
0x117: {  	v52 =	vld [tilespmem:$0x1FAE0]  }
0x118: {  	[tilespmem:$0x1FE20] =	vst v1;
	v1 =	vld [tilespmem:$0x1FB60];
	_ =	sdelay $0x2  }
0x119: {  	v54 =	vld [tilespmem:$0x1FAF0]  }
0x11a: {  	v2 =	vadd.f32 v5, v2;
	v5 =	vmul.f32 v53, v18  }
0x11b: {  	v53 =	vmul.f32 v52, v34;
	v52 =	vmul.f32 v1, v21;
	v1 =	vld [tilespmem:$0x1FB70];
	_ =	sdelay $0x2  }
0x11c: {  	v58 =	vmul.f32 v54, v33;
	_ =	sdelay $0x1  }
0x11d: {  	v11 =	vadd.f32 v58, v53;
	v53 =	vmul.f32 v1, v23;
	v1 =	vld [tilespmem:$0xBD0];
	_ =	sdelay $0x4  }
0x11e: {  	[tilespmem:$0x1FE40] =	vst v1;
	v1 =	vld [tilespmem:$0x1FB80];
	_ =	sdelay $0x4  }
0x11f: {  	v54 =	vmul.f32 v1, v30;
	v1 =	vld [tilespmem:$0xBE0];
	_ =	sdelay $0x4  }
0x120: {  	[tilespmem:$0x1FE60] =	vst v1;
	v1 =	vld [tilespmem:$0x1FB90];
	_ =	sdelay $0x4  }
0x121: {  	v58 =	vmul.f32 v1, v19;
	v1 =	vld [tilespmem:$0xBF0];
	_ =	sdelay $0x3  }
0x122: {  	v62 =	vld [tilespmem:$0x1FB00]  }
0x123: {  	[tilespmem:$0x1FE70] =	vst v1;
	v1 =	vld [tilespmem:$0x1FBA0];
	_ =	sdelay $0x2  }
0x124: {  	v37 =	vld [tilespmem:$0xAC0]  }
0x125: {  	v51 =	vld [tilespmem:$0x1FAD0]  }
0x126: {  	v63 =	vmul.f32 v62, v22;
	v62 =	vmul.f32 v1, v22;
	v1 =	vld [tilespmem:$0x1FBB0]  }
0x127: {  	v35 =	vld [tilespmem:$0x1FB10];
	_ =	sdelay $0x1  }
0x128: {  	v46 =	vld [tilespmem:$0x1FAB0]  }
0x129: {  	v10 =	vmul.f32 v51, v26  }
0x12a: {  	v6 =	vadd.f32 v63, v6;
	v63 =	vmul.f32 v1, v29;
	v1 =	vld [tilespmem:$0x1FBC0]  }
0x12b: {  	[tilespmem:$0x1FDF0] =	vst v37;
	v5 =	vadd.f32 v5, v2;
	v9 =	vadd.f32 v10, v49;
	v37 =	vmul.f32 v35, v25;
	_ =	sdelay $0x1  }
0x12c: {  	v13 =	vmul.f32 v5, v46;
	v46 =	vadd.f32 v37, v9;
	_ =	sdelay $0x1  }
0x12d: {  	v10 =	vadd.f32 v47, v46;
	v47 =	vmul.f32 v1, v28;
	v1 =	vld [tilespmem:$0x1FBD0];
	_ =	sdelay $0x4  }
0x12e: {  	v10 =	vadd.f32 v53, v10;
	v53 =	vmul.f32 v1, v18;
	v1 =	vld [tilespmem:$0x1FBE0];
	_ =	sdelay $0x2  }
0x12f: {  	v13 =	vadd.f32 $0.0e+00, v13  }
0x130: {  	v12 =	vadd.f32 v45, v11  }
0x131: {  	v45 =	vadd.f32 v42, v13;
	v13 =	vadd.f32 v62, v10;
	v62 =	vmul.f32 v1, v21;
	v1 =	vld [tilespmem:$0x1FBF0]  }
0x132: {  	v12 =	vadd.f32 v48, v12;
	_ =	sdelay $0x1  }
0x133: {  	v12 =	vadd.f32 v54, v12;
	_ =	sdelay $0x1  }
0x134: {  	v46 =	vadd.f32 v63, v12;
	v63 =	vmul.f32 v1, v27;
	v1 =	vld [tilespmem:$0x1FC00];
	_ =	sdelay $0x4  }
0x135: {  	v12 =	vadd.f32 v47, v46;
	v47 =	vmul.f32 v1, v26;
	v1 =	vld [tilespmem:$0x1FC10]  }
0x136: {  	v6 =	vadd.f32 v52, v6;
	_ =	sdelay $0x1  }
0x137: {  	v6 =	vadd.f32 v58, v6  }
0x138: {  	v39 =	vld [tilespmem:$0x900]  }
0x139: {  	v6 =	vadd.f32 v53, v6;
	v53 =	vmul.f32 v1, v19;
	v1 =	vld [tilespmem:$0x1FC20]  }
0x13a: {  	v41 =	vld [tilespmem:$0x910];
	_ =	sdelay $0x1  }
0x13b: {  	v44 =	vld [tilespmem:$0x920];
	_ =	sdelay $0x1  }
0x13c: {  	v6 =	vmul.f32 v6, v1;
	v1 =	vld [tilespmem:$0x1FC30]  }
0x13d: {  	v5 =	vmul.f32 v39, v34;
	v42 =	vmul.f32 v41, v33;
	_ =	sdelay $0x1  }
0x13e: {  	v56 =	vld [tilespmem:$0x930];
	v15 =	vadd.f32 v42, v5;
	v58 =	vmul.f32 v44, v32  }
0x13f: {  	v60 =	vld [tilespmem:$0x940]  }
0x140: {  	v15 =	vadd.f32 v58, v15;
	v58 =	vmul.f32 v1, v25;
	v1 =	vld [tilespmem:$0x1FC40];
	_ =	sdelay $0x3  }
0x141: {  	v46 =	vmul.f32 v56, v31  }
0x142: {  	v56 =	vmul.f32 v60, v30;
	v60 =	vmul.f32 v1, v29;
	v1 =	vld [tilespmem:$0x1FC50];
	_ =	sdelay $0x3  }
0x143: {  	v50 =	vld [tilespmem:$0x960]  }
0x144: {  	v13 =	vadd.f32 v62, v13;
	v62 =	vmul.f32 v1, v18;
	v1 =	vld [tilespmem:$0x1FC60];
	_ =	sdelay $0x3  }
0x145: {  	[tilespmem:$0x1FC70] =	vst v50  }
0x146: {  	v12 =	vadd.f32 v63, v12;
	v63 =	vmul.f32 v1, v24;
	v1 =	vld [tilespmem:$0x1FC70];
	_ =	sdelay $0x4  }
0x147: {  	v5 =	vmul.f32 v1, v28;
	v1 =	vld [tilespmem:$0x1FC80];
	_ =	sdelay $0x4  }
0x148: {  	v9 =	vmul.f32 v1, v23;
	v1 =	vld [tilespmem:$0x1FC90];
	_ =	sdelay $0x4  }
0x149: {  	v11 =	vmul.f32 v1, v22;
	v1 =	vld [tilespmem:$0x1FCA0]  }
0x14a: {  	v15 =	vadd.f32 v46, v15;
	_ =	sdelay $0x1  }
0x14b: {  	v39 =	vadd.f32 v56, v15  }
0x14c: {  	v50 =	vld [tilespmem:$0x980]  }
0x14d: {  	v39 =	vadd.f32 v60, v39;
	v60 =	vmul.f32 v1, v27;
	v1 =	vld [tilespmem:$0x1FCB0]  }
0x14e: {  	v35 =	vadd.f32 v53, v13;
	_ =	sdelay $0x1  }
0x14f: {  	v35 =	vadd.f32 v62, v35  }
0x150: {  	[tilespmem:$0x1FCC0] =	vst v50  }
0x151: {  	v35 =	vmul.f32 v35, v1;
	v1 =	vld [tilespmem:$0x1FCC0]  }
0x152: {  	v12 =	vadd.f32 v47, v12;
	_ =	sdelay $0x1  }
0x153: {  	v12 =	vadd.f32 v58, v12;
	_ =	sdelay $0x1  }
0x154: {  	v12 =	vadd.f32 v63, v12;
	v63 =	vmul.f32 v1, v26;
	v1 =	vld [tilespmem:$0xCF0];
	_ =	sdelay $0x4  }
0x155: {  	[tilespmem:$0x1FEA0] =	vst v1;
	v1 =	vld [tilespmem:$0x1FCD0];
	_ =	sdelay $0x2  }
0x156: {  	v50 =	vld [tilespmem:$0x9B0];
	_ =	sdelay $0x1  }
0x157: {  	v12 =	vadd.f32 v9, v12;
	v9 =	vmul.f32 v1, v21;
	v1 =	vld [tilespmem:$0x1FCE0];
	_ =	sdelay $0x2  }
0x158: {  	[tilespmem:$0x1FD20] =	vst v50;
	v50 =	vld [tilespmem:$0x9F0];
	_ =	sdelay $0x1  }
0x159: {  	v12 =	vadd.f32 v11, v12;
	v11 =	vmul.f32 v1, v25;
	v1 =	vld [tilespmem:$0x1FCF0];
	_ =	sdelay $0x1  }
0x15a: {  	v43 =	vld [tilespmem:$0xA10]  }
0x15b: {  	[tilespmem:$0x1FDD0] =	vst v50;
	v50 =	vld [tilespmem:$0xA00]  }
0x15c: {  	v7 =	vld [tilespmem:$0xB20]  }
0x15d: {  	v12 =	vadd.f32 v9, v12;
	v9 =	vmul.f32 v1, v24;
	v1 =	vld [tilespmem:$0x1FD00]  }
0x15e: {  	v8 =	vld [tilespmem:$0xB40]  }
0x15f: {  	v57 =	vld [tilespmem:$0xA50]  }
0x160: {  	v59 =	vld [tilespmem:$0xA30];
	v43 =	vmul.f32 v43, v33;
	v6 =	vadd.f32 v6, v45;
	v62 =	vmul.f32 v50, v34  }
0x161: {  	v55 =	vld [tilespmem:$0xA20];
	v39 =	vadd.f32 v5, v39  }
0x162: {  	v43 =	vadd.f32 v43, v62;
	v62 =	vadd.f32 v35, v6;
	v35 =	vmul.f32 v1, v19;
	v1 =	vld [tilespmem:$0x1FD10]  }
0x163: {  	v61 =	vld [tilespmem:$0xB10];
	v39 =	vadd.f32 v60, v39  }
0x164: {  	v16 =	vld [tilespmem:$0xB90]  }
0x165: {  	v2 =	vld [tilespmem:$0xB30];
	v39 =	vadd.f32 v63, v39  }
0x166: {  	v36 =	vld [tilespmem:$0xB60];
	v5 =	vmul.f32 v55, v32  }
0x167: {  	v39 =	vadd.f32 v11, v39;
	v11 =	vmul.f32 v1, v30;
	v1 =	vld [tilespmem:$0x1FD20]  }
0x168: {  	v4 =	vld [tilespmem:$0xB50];
	v63 =	vadd.f32 v5, v43;
	v5 =	vmul.f32 v59, v31  }
0x169: {  	v3 =	vld [tilespmem:$0xB00]  }
0x16a: {  	v14 =	vld [tilespmem:$0xB80];
	v6 =	vadd.f32 v5, v63  }
0x16b: {  	v40 =	vld [tilespmem:$0xB70]  }
0x16c: {  	v6 =	vadd.f32 v11, v6;
	v11 =	vmul.f32 v1, v23;
	v1 =	vld [tilespmem:$0x1FD30]  }
0x16d: {  	v17 =	vld [tilespmem:$0xC10]  }
0x16e: {  	v51 =	vld [tilespmem:$0xBB0]  }
0x16f: {  	v38 =	vld [tilespmem:$0xC80]  }
0x170: {  	v49 =	vld [tilespmem:$0xBA0]  }
0x171: {  	v63 =	vmul.f32 v1, v28;
	v1 =	vld [tilespmem:$0x1FD40]  }
0x172: {  	v3 =	vmul.f32 v3, v34;
	v37 =	vld [tilespmem:$0xC70];
	v39 =	vadd.f32 v9, v39;
	v9 =	vmul.f32 v61, v33  }
0x173: {  	v41 =	vld [tilespmem:$0xCB0]  }
0x174: {  	v7 =	vmul.f32 v7, v32;
	v42 =	vld [tilespmem:$0xC60];
	v3 =	vadd.f32 v9, v3  }
0x175: {  	v48 =	vld [tilespmem:$0xC30]  }
0x176: {  	v57 =	vmul.f32 v57, v29;
	v3 =	vadd.f32 v7, v3;
	v7 =	vmul.f32 v1, v18;
	v1 =	vld [tilespmem:$0x1FD50]  }
0x177: {  	v52 =	vld [tilespmem:$0xC20]  }
0x178: {  	v6 =	vadd.f32 v57, v6;
	v57 =	vmul.f32 v2, v31;
	v2 =	vld [tilespmem:$0x1FD70]  }
0x179: {  	v54 =	vld [tilespmem:$0xC00]  }
0x17a: {  	v44 =	vld [tilespmem:$0xC40]  }
0x17b: {  	v10 =	vld [tilespmem:$0xC50];
	v59 =	vadd.f32 v11, v39;
	v6 =	vadd.f32 v63, v6;
	v63 =	vmul.f32 v1, v22  }
0x17c: {  	v46 =	vld [tilespmem:$0xD80]  }
0x17d: {  	v59 =	vadd.f32 v63, v59;
	v63 =	vmul.f32 v2, v26;
	v2 =	vld [tilespmem:$0x1FD80]  }
0x17e: {  	v1 =	vld [tilespmem:$0x1FD60]  }
0x17f: {  	v15 =	vld [tilespmem:$0xCA0]  }
0x180: {  	v8 =	vmul.f32 v8, v30;
	v56 =	vld [tilespmem:$0xD40];
	v3 =	vadd.f32 v57, v3  }
0x181: {  	v47 =	vld [tilespmem:$0xD00]  }
0x182: {  	v3 =	vadd.f32 v8, v3;
	v8 =	vmul.f32 v2, v21;
	v2 =	vld [tilespmem:$0x1FD90]  }
0x183: {  	v13 =	vld [tilespmem:$0xC90];
	v35 =	vadd.f32 v35, v12;
	v1 =	vmul.f32 v1, v27  }
0x184: {  	v53 =	vld [tilespmem:$0xCD0]  }
0x185: {  	v60 =	vld [tilespmem:$0xD10];
	v7 =	vadd.f32 v7, v35;
	v1 =	vadd.f32 v1, v6  }
0x186: {  	v45 =	vld [tilespmem:$0xCE0]  }
0x187: {  	v7 =	vmul.f32 v7, v2;
	v2 =	vadd.f32 v63, v1;
	v1 =	vld [tilespmem:$0x1FDA0]  }
0x188: {  	v58 =	vld [tilespmem:$0xCC0]  }
0x189: {  	v4 =	vmul.f32 v4, v29;
	v8 =	vadd.f32 v8, v59;
	v59 =	vld [tilespmem:$0x1FDC0]  }
0x18a: {  	v47 =	vmul.f32 v47, v34;
	v50 =	vld [tilespmem:$0xD30];
	v60 =	vmul.f32 v60, v33  }
0x18b: {  	v55 =	vld [tilespmem:$0xD20];
	v3 =	vadd.f32 v4, v3;
	v4 =	vmul.f32 v36, v28  }
0x18c: {  	v60 =	vadd.f32 v60, v47;
	v47 =	vld [tilespmem:$0xEF0];
	v1 =	vmul.f32 v1, v25  }
0x18d: {  	v40 =	vmul.f32 v40, v27;
	v43 =	vld [tilespmem:$0xD60];
	v3 =	vadd.f32 v4, v3  }
0x18e: {  	v59 =	vmul.f32 v59, v24;
	v1 =	vadd.f32 v1, v2;
	v2 =	vld [tilespmem:$0x1FDB0]  }
0x18f: {  	v3 =	vadd.f32 v40, v3;
	v40 =	vld [tilespmem:$0x1FDE0]  }
0x190: {  	v1 =	vadd.f32 v59, v1;
	v59 =	vld [tilespmem:$0x1FDD0]  }
0x191: {  	v5 =	vld [tilespmem:$0xE00]  }
0x192: {  	v61 =	vld [tilespmem:$0xD50]  }
0x193: {  	v9 =	vld [tilespmem:$0xD90];
	v2 =	vmul.f32 v2, v19  }
0x194: {  	v17 =	vmul.f32 v17, v33;
	v12 =	vld [tilespmem:$0xD70];
	v4 =	vmul.f32 v40, v23  }
0x195: {  	v57 =	vld [tilespmem:$0xDD0];
	v40 =	vmul.f32 v54, v34;
	v2 =	vadd.f32 v2, v8;
	v8 =	vmul.f32 v59, v18  }
0x196: {  	v39 =	vld [tilespmem:$0xDA0]  }
0x197: {  	v2 =	vadd.f32 v8, v2;
	v8 =	vadd.f32 v17, v40;
	v40 =	vld [tilespmem:$0x1FDF0]  }
0x198: {  	v14 =	vmul.f32 v14, v26;
	v11 =	vld [tilespmem:$0xDC0]  }
0x199: {  	v36 =	vld [tilespmem:$0xDF0]  }
0x19a: {  	v3 =	vadd.f32 v14, v3;
	v14 =	vld [tilespmem:$0xE50]  }
0x19b: {  	v35 =	vld [tilespmem:$0xDB0]  }
0x19c: {  	v54 =	vld [tilespmem:$0xE40];
	v1 =	vadd.f32 v4, v1;
	v4 =	vmul.f32 v16, v25;
	v16 =	vmul.f32 v40, v22  }
0x19d: {  	v6 =	vld [tilespmem:$0xE30]  }
0x19e: {  	v1 =	vadd.f32 v16, v1;
	v16 =	vld [tilespmem:$0x1FE10]  }
0x19f: {  	v63 =	vld [tilespmem:$0xDE0]  }
0x1a0: {  	v7 =	vadd.f32 v7, v62;
	v62 =	vld [tilespmem:$0xE10]  }
0x1a1: {  	v3 =	vadd.f32 v4, v3;
	v4 =	vmul.f32 v49, v24;
	v59 =	vld [tilespmem:$0xE20]  }
0x1a2: {  	v17 =	vmul.f32 v52, v32;
	v52 =	vld [tilespmem:$0xE60]  }
0x1a3: {  	v49 =	vmul.f32 v51, v23;
	v3 =	vadd.f32 v4, v3;
	v40 =	vld [tilespmem:$0x1FE00];
	v4 =	vmul.f32 v16, v21  }
0x1a4: {  	v8 =	vadd.f32 v17, v8;
	v17 =	vld [tilespmem:$0xE80]  }
0x1a5: {  	v48 =	vmul.f32 v48, v31;
	v4 =	vadd.f32 v4, v1;
	v1 =	vadd.f32 v49, v3;
	v3 =	vld [tilespmem:$0x1FE20]  }
0x1a6: {  	v49 =	vld [tilespmem:$0x1FE30]  }
0x1a7: {  	v48 =	vadd.f32 v48, v8;
	v8 =	vld [tilespmem:$0xEB0]  }
0x1a8: {  	v2 =	vmul.f32 v2, v40;
	v40 =	vld [tilespmem:$0xE70]  }
0x1a9: {  	v44 =	vmul.f32 v44, v30;
	v16 =	vld [tilespmem:$0xE90]  }
0x1aa: {  	v51 =	vadd.f32 v2, v7;
	v2 =	vld [tilespmem:$0xEA0];
	v3 =	vmul.f32 v3, v22  }
0x1ab: {  	v44 =	vadd.f32 v44, v48;
	v7 =	vld [tilespmem:$0xEC0];
	v48 =	vmul.f32 v49, v19;
	v49 =	vmul.f32 v10, v29  }
0x1ac: {  	v55 =	vmul.f32 v55, v32;
	v10 =	vld [tilespmem:$0xED0]  }
0x1ad: {  	v3 =	vadd.f32 v3, v1;
	v44 =	vadd.f32 v49, v44;
	v1 =	vld [tilespmem:$0x1FE40]  }
0x1ae: {  	v42 =	vmul.f32 v42, v28;
	v4 =	vadd.f32 v48, v4;
	v48 =	vadd.f32 v55, v60;
	v60 =	vld [tilespmem:$0x1FE60]  }
0x1af: {  	v50 =	vmul.f32 v50, v31;
	v55 =	vld [tilespmem:$0x1FE50]  }
0x1b0: {  	v37 =	vmul.f32 v37, v27;
	v42 =	vadd.f32 v42, v44;
	v44 =	vld [tilespmem:$0xF00]  }
0x1b1: {  	v48 =	vadd.f32 v50, v48;
	v50 =	vld [tilespmem:$0xF30]  }
0x1b2: {  	v38 =	vmul.f32 v38, v26;
	v37 =	vadd.f32 v37, v42;
	v49 =	vmul.f32 v1, v21;
	v1 =	vld [tilespmem:$0xEE0]  }
0x1b3: {  	v13 =	vmul.f32 v13, v25;
	v42 =	vmul.f32 v60, v19;
	v60 =	vld [tilespmem:$0xF20]  }
0x1b4: {  	v37 =	vadd.f32 v38, v37;
	v38 =	vld [tilespmem:$0xF40];
	v3 =	vadd.f32 v49, v3;
	v49 =	vmul.f32 v55, v18  }
0x1b5: {  	v56 =	vmul.f32 v56, v30;
	v55 =	vld [tilespmem:$0xF10]  }
0x1b6: {  	v15 =	vmul.f32 v15, v24;
	v13 =	vadd.f32 v13, v37;
	v37 =	vld [tilespmem:$0xF60];
	v4 =	vadd.f32 v49, v4  }
0x1b7: {  	v3 =	vadd.f32 v42, v3;
	v42 =	vadd.f32 v56, v48;
	v56 =	vld [tilespmem:$0x1FE70];
	v49 =	vmul.f32 v61, v29  }
0x1b8: {  	v43 =	vmul.f32 v43, v28;
	v61 =	vld [tilespmem:$0x1FE80]  }
0x1b9: {  	v13 =	vadd.f32 v15, v13;
	v15 =	vmul.f32 v41, v23;
	v41 =	vld [tilespmem:$0xF80];
	v42 =	vadd.f32 v49, v42  }
0x1ba: {  	v49 =	vld [tilespmem:$0xFA0]  }
0x1bb: {  	v58 =	vmul.f32 v58, v22;
	v5 =	vmul.f32 v5, v34;
	v42 =	vadd.f32 v43, v42;
	v43 =	vld [tilespmem:$0xF90]  }
0x1bc: {  	v44 =	vmul.f32 v44, v34;
	v13 =	vadd.f32 v15, v13;
	v48 =	vmul.f32 v56, v18;
	v56 =	vld [tilespmem:$0xF50]  }
0x1bd: {  	v55 =	vmul.f32 v55, v33;
	v4 =	vmul.f32 v4, v61;
	v61 =	vld [tilespmem:$0x1FE90]  }
0x1be: {  	v13 =	vadd.f32 v58, v13;
	v58 =	vmul.f32 v62, v33;
	v3 =	vadd.f32 v48, v3;
	v48 =	vld [tilespmem:$0xF70]  }
0x1bf: {  	v4 =	vadd.f32 v4, v51;
	v51 =	vmul.f32 v46, v26;
	v46 =	vld [tilespmem:$0xFC0]  }
0x1c0: {  	v5 =	vadd.f32 v58, v5;
	v58 =	vmul.f32 v59, v32;
	v59 =	vadd.f32 v55, v44;
	v44 =	vld [tilespmem:$0x1010]  }
0x1c1: {  	v12 =	vmul.f32 v12, v27;
	v55 =	vld [tilespmem:$0x1FEB0]  }
0x1c2: {  	v6 =	vmul.f32 v6, v31;
	v5 =	vadd.f32 v58, v5;
	v58 =	vmul.f32 v50, v31;
	v50 =	vld [tilespmem:$0x1030]  }
0x1c3: {  	v3 =	vmul.f32 v3, v61;
	v61 =	vadd.f32 v12, v42;
	v42 =	vld [tilespmem:$0xFB0]  }
0x1c4: {  	v5 =	vadd.f32 v6, v5;
	v6 =	vld [tilespmem:$0x10C0]  }
0x1c5: {  	v9 =	vmul.f32 v9, v25;
	v3 =	vadd.f32 v3, v4;
	v4 =	vadd.f32 v51, v61;
	v51 =	vld [tilespmem:$0xFD0]  }
0x1c6: {  	v61 =	vmul.f32 v53, v21;
	v53 =	vld [tilespmem:$0xFE0]  }
0x1c7: {  	v4 =	vadd.f32 v9, v4;
	v9 =	vld [tilespmem:$0xFF0]  }
0x1c8: {  	v62 =	vmul.f32 v39, v24;
	v12 =	vadd.f32 v61, v13;
	v13 =	vld [tilespmem:$0x1000]  }
0x1c9: {  	v61 =	vmul.f32 v60, v32;
	v60 =	vmul.f32 v38, v30;
	v38 =	vld [tilespmem:$0x1050]  }
0x1ca: {  	v4 =	vadd.f32 v62, v4;
	v62 =	vmul.f32 v54, v30;
	v54 =	vld [tilespmem:$0x1020]  }
0x1cb: {  	v45 =	vmul.f32 v45, v19;
	v15 =	vadd.f32 v61, v59;
	v59 =	vmul.f32 v14, v29;
	v14 =	vld [tilespmem:$0x1040]  }
0x1cc: {  	v61 =	vld [tilespmem:$0x1FEA0]  }
0x1cd: {  	v35 =	vmul.f32 v35, v23;
	v12 =	vadd.f32 v45, v12;
	v45 =	vld [tilespmem:$0x1060];
	v5 =	vadd.f32 v62, v5  }
0x1ce: {  	v15 =	vadd.f32 v58, v15;
	v62 =	vmul.f32 v52, v28;
	v52 =	vld [tilespmem:$0x1070]  }
0x1cf: {  	v4 =	vadd.f32 v35, v4;
	v35 =	vld [tilespmem:$0x1090];
	v5 =	vadd.f32 v59, v5  }
0x1d0: {  	v56 =	vmul.f32 v56, v29;
	v58 =	vmul.f32 v40, v27;
	v40 =	vld [tilespmem:$0x10B0];
	v15 =	vadd.f32 v60, v15  }
0x1d1: {  	v11 =	vmul.f32 v11, v22;
	v5 =	vadd.f32 v62, v5;
	v62 =	vmul.f32 v17, v26;
	v17 =	vld [tilespmem:$0x10A0]  }
0x1d2: {  	v39 =	vmul.f32 v61, v18;
	v61 =	vmul.f32 v57, v21;
	v59 =	vadd.f32 v56, v15;
	v15 =	vld [tilespmem:$0x11A0]  }
0x1d3: {  	v4 =	vadd.f32 v11, v4;
	v56 =	vmul.f32 v48, v27;
	v48 =	vmul.f32 v44, v33;
	v44 =	vld [tilespmem:$0x11B0]  }
0x1d4: {  	v12 =	vadd.f32 v39, v12;
	v39 =	vld [tilespmem:$0x1080]  }
0x1d5: {  	v60 =	vmul.f32 v37, v28;
	v37 =	vadd.f32 v61, v4;
	v4 =	vld [tilespmem:$0x10E0]  }
0x1d6: {  	v61 =	vmul.f32 v2, v24;
	v2 =	vld [tilespmem:$0x10F0]  }
0x1d7: {  	v36 =	vmul.f32 v36, v18;
	v11 =	vadd.f32 v60, v59;
	v60 =	vmul.f32 v41, v26;
	v41 =	vld [tilespmem:$0x10D0]  }
0x1d8: {  	v59 =	vmul.f32 v63, v19;
	v63 =	vmul.f32 v13, v34;
	v13 =	vld [tilespmem:$0x1140]  }
0x1d9: {  	v8 =	vmul.f32 v8, v23;
	v5 =	vadd.f32 v58, v5;
	v12 =	vmul.f32 v12, v55;
	v55 =	vld [tilespmem:$0x1120]  }
0x1da: {  	v7 =	vmul.f32 v7, v22;
	v58 =	vmul.f32 v16, v25;
	v16 =	vadd.f32 v59, v37;
	v37 =	vld [tilespmem:$0x1100]  }
0x1db: {  	v1 =	vmul.f32 v1, v19;
	v57 =	vadd.f32 v62, v5;
	v62 =	vmul.f32 v43, v25;
	v43 =	vld [tilespmem:$0x1110]  }
0x1dc: {  	v11 =	vadd.f32 v56, v11;
	v56 =	vmul.f32 v42, v23;
	v59 =	vmul.f32 v46, v22;
	v42 =	vld [tilespmem:$0x1150]  }
0x1dd: {  	v46 =	vmul.f32 v51, v21;
	v51 =	vmul.f32 v45, v28;
	v45 =	vld [tilespmem:$0x1220]  }
0x1de: {  	v3 =	vadd.f32 v12, v3;
	v12 =	vadd.f32 v48, v63;
	v48 =	vmul.f32 v38, v29;
	v38 =	vld [tilespmem:$0x1180]  }
0x1df: {  	v49 =	vmul.f32 v49, v24;
	v5 =	vadd.f32 v58, v57;
	v16 =	vadd.f32 v36, v16;
	v36 =	vld [tilespmem:$0x1130]  }
0x1e0: {  	v6 =	vmul.f32 v6, v22;
	v54 =	vmul.f32 v54, v32;
	v11 =	vadd.f32 v60, v11;
	v60 =	vld [tilespmem:$0x1FEC0]  }
0x1e1: {  	v9 =	vmul.f32 v9, v18;
	v5 =	vadd.f32 v61, v5;
	v61 =	vmul.f32 v14, v30;
	v14 =	vld [tilespmem:$0x1160]  }
0x1e2: {  	v57 =	vadd.f32 v54, v12;
	v54 =	vmul.f32 v55, v32;
	v55 =	vmul.f32 v53, v19;
	v53 =	vld [tilespmem:$0x1230]  }
0x1e3: {  	v58 =	vmul.f32 v50, v31;
	v11 =	vadd.f32 v62, v11;
	v50 =	vmul.f32 v43, v33;
	v43 =	vld [tilespmem:$0x1190]  }
0x1e4: {  	v15 =	vmul.f32 v15, v24;
	v12 =	vmul.f32 v45, v32;
	v45 =	vld [tilespmem:$0x1270]  }
0x1e5: {  	v4 =	vmul.f32 v4, v19;
	v11 =	vadd.f32 v49, v11;
	v49 =	vmul.f32 v37, v34;
	v37 =	vld [tilespmem:$0x11E0]  }
0x1e6: {  	v5 =	vadd.f32 v8, v5;
	v8 =	vadd.f32 v58, v57;
	v58 =	vmul.f32 v39, v26;
	v39 =	vld [tilespmem:$0x1260]  }
0x1e7: {  	v2 =	vmul.f32 v2, v18;
	v57 =	vmul.f32 v36, v31;
	v36 =	vld [tilespmem:$0x11D0]  }
0x1e8: {  	v13 =	vmul.f32 v13, v30;
	v11 =	vadd.f32 v56, v11;
	v8 =	vadd.f32 v61, v8;
	v61 =	vld [tilespmem:$0x1200]  }
0x1e9: {  	v62 =	vmul.f32 v10, v21;
	v5 =	vadd.f32 v7, v5;
	v7 =	vadd.f32 v50, v49;
	v49 =	vld [tilespmem:$0x1FED0]  }
0x1ea: {  	v16 =	vmul.f32 v16, v60;
	v60 =	vmul.f32 v35, v25;
	v50 =	vld [tilespmem:$0x1FEE0]  }
0x1eb: {  	v56 =	vmul.f32 v52, v27;
	v63 =	vadd.f32 v59, v11;
	v11 =	vld [tilespmem:$0x1170];
	v8 =	vadd.f32 v48, v8  }
0x1ec: {  	v52 =	vmul.f32 v40, v23;
	v5 =	vadd.f32 v62, v5;
	v59 =	vmul.f32 v47, v18;
	v48 =	vld [tilespmem:$0x1300]  }
0x1ed: {  	v62 =	vmul.f32 v42, v29;
	v10 =	vadd.f32 v46, v63;
	v8 =	vadd.f32 v51, v8;
	v46 =	vld [tilespmem:$0x11C0]  }
0x1ee: {  	v42 =	vmul.f32 v17, v24;
	v5 =	vadd.f32 v1, v5;
	v1 =	vadd.f32 v54, v7;
	v63 =	vld [tilespmem:$0x1210]  }
0x1ef: {  	v3 =	vadd.f32 v16, v3;
	v47 =	vmul.f32 v14, v28;
	v51 =	vld [tilespmem:$0x1310];
	v54 =	vmul.f32 v61, v34  }
0x1f0: {  	v61 =	vmul.f32 v43, v25;
	v8 =	vadd.f32 v56, v8;
	v7 =	vadd.f32 v57, v1;
	v1 =	vld [tilespmem:$0x11F0]  }
0x1f1: {  	v43 =	vmul.f32 v41, v21;
	v41 =	vmul.f32 v36, v21;
	v5 =	vadd.f32 v59, v5;
	v56 =	vld [tilespmem:$0x1320]  }
0x1f2: {  	v10 =	vadd.f32 v55, v10;
	v57 =	vmul.f32 v38, v26;
	v59 =	vld [tilespmem:$0x1330];
	v8 =	vadd.f32 v58, v8  }
0x1f3: {  	v7 =	vadd.f32 v13, v7;
	v5 =	vmul.f32 v5, v49;
	v58 =	vld [tilespmem:$0x1240];
	v55 =	vmul.f32 v63, v33  }
0x1f4: {  	v11 =	vmul.f32 v11, v27;
	v9 =	vadd.f32 v9, v10;
	v49 =	vld [tilespmem:$0x1280];
	v8 =	vadd.f32 v60, v8  }
0x1f5: {  	v14 =	vmul.f32 v48, v34;
	v63 =	vld [tilespmem:$0x1340];
	v3 =	vadd.f32 v5, v3;
	v5 =	vadd.f32 v55, v54  }
0x1f6: {  	v10 =	vmul.f32 v51, v33;
	v51 =	vld [tilespmem:$0x1370];
	v7 =	vadd.f32 v62, v7;
	v8 =	vadd.f32 v42, v8  }
0x1f7: {  	v9 =	vmul.f32 v9, v50;
	v60 =	vld [tilespmem:$0x1250];
	v62 =	vmul.f32 v53, v31;
	v5 =	vadd.f32 v12, v5  }
0x1f8: {  	v33 =	vld [tilespmem:$0x12C0];
	v34 =	vadd.f32 v10, v14;
	v38 =	vmul.f32 v56, v32;
	v8 =	vadd.f32 v52, v8  }
0x1f9: {  	v17 =	vmul.f32 v59, v31;
	v7 =	vadd.f32 v47, v7;
	v42 =	vld [tilespmem:$0x1350];
	v5 =	vadd.f32 v62, v5  }
0x1fa: {  	v53 =	vld [tilespmem:$0x1290];
	v40 =	vmul.f32 v58, v30;
	v6 =	vadd.f32 v6, v8;
	v8 =	vadd.f32 v38, v34  }
0x1fb: {  	v50 =	vmul.f32 v39, v28;
	v47 =	vld [tilespmem:$0x1360];
	v7 =	vadd.f32 v11, v7;
	v48 =	vmul.f32 v63, v30  }
0x1fc: {  	v39 =	vld [tilespmem:$0x12D0];
	v11 =	vmul.f32 v60, v29;
	v5 =	vadd.f32 v40, v5;
	v8 =	vadd.f32 v17, v8  }
0x1fd: {  	v54 =	vld [tilespmem:$0x1FFD0];
	v55 =	vmul.f32 v45, v27;
	v59 =	vmul.f32 v44, v23  }
0x1fe: {  	v56 =	vld [tilespmem:$0x1380];
	v16 =	vmul.f32 v42, v29;
	v5 =	vadd.f32 v11, v5;
	v8 =	vadd.f32 v48, v8  }
0x1ff: {  	v31 =	vld [tilespmem:$0x13A0];
	v32 =	vmul.f32 v46, v22;
	v1 =	vmul.f32 v1, v18;
	v7 =	vadd.f32 v57, v7  }
0x200: {  	v58 =	vld [tilespmem:$0x12A0];
	v12 =	vmul.f32 v47, v28;
	v5 =	vadd.f32 v50, v5;
	v8 =	vadd.f32 v16, v8  }
0x201: {  	v63 =	vmul.f32 v51, v27;
	v45 =	vmul.f32 v33, v22;
	v7 =	vadd.f32 v61, v7;
	v61 =	vld [tilespmem:$0x1390]  }
0x202: {  	v52 =	vld [tilespmem:$0x1FFC0];
	v60 =	vmul.f32 v49, v26;
	v5 =	vadd.f32 v55, v5;
	v8 =	vadd.f32 v12, v8  }
0x203: {  	v3 =	vadd.f32 v9, v3;
	v62 =	vld [tilespmem:$0x12B0];
	v10 =	vmul.f32 v53, v25;
	v34 =	vmul.f32 v56, v26  }
0x204: {  	v44 =	vld [tilespmem:$0x12E0];
	v47 =	vmul.f32 v37, v19;
	v5 =	vadd.f32 v60, v5;
	v8 =	vadd.f32 v63, v8  }
0x205: {  	v38 =	vld [tilespmem:$0x13B0];
	v6 =	vadd.f32 v43, v6;
	v35 =	vmul.f32 v58, v24;
	v7 =	vadd.f32 v15, v7  }
0x206: {  	v57 =	vld [tilespmem:$0x1FFF0];
	v40 =	vmul.f32 v61, v25;
	v5 =	vadd.f32 v10, v5;
	v8 =	vadd.f32 v34, v8  }
0x207: {  	v43 =	vld [tilespmem:$0x13C0];
	v11 =	vmul.f32 v31, v24;
	v15 =	vor.u32 v52, v20;
	v7 =	vadd.f32 v59, v7  }
0x208: {  	v46 =	vld [tilespmem:$0x13D0];
	v42 =	vmul.f32 v62, v23;
	v5 =	vadd.f32 v35, v5;
	v8 =	vadd.f32 v40, v8  }
0x209: {  	v51 =	vld [tilespmem:$0x13E0];
	v17 =	vor.u32 v54, v20;
	v4 =	vadd.f32 v4, v6;
	v7 =	vadd.f32 v32, v7  }
0x20a: {  	v58 =	vld [tilespmem:$0x1FEF0];
	v10 =	vmul.f32 v38, v23;
	v5 =	vadd.f32 v42, v5;
	v8 =	vadd.f32 v11, v8  }
0x20b: {  	v48 =	vld [tilespmem:$0x12F0];
	v20 =	vor.u32 v57, v20;
	v50 =	vmul.f32 v39, v21;
	v7 =	vadd.f32 v41, v7  }
0x20c: {  	v53 =	vmul.f32 v43, v22;
	v55 =	vld [tilespmem:$0x13F0];
	v49 =	vadd.f32 v45, v5;
	v8 =	vadd.f32 v10, v8  }
0x20d: {  	v56 =	vmul.f32 v46, v21;
	v2 =	vadd.f32 v2, v4;
	v52 =	vld.idx.msk [tilespmem:v15+s14+$0x0], $0xffff;
	v7 =	vadd.f32 v47, v7  }
0x20e: {  	v54 =	vmul.f32 v44, v19;
	v4 =	vadd.f32 v50, v49;
	v8 =	vadd.f32 v53, v8  }
0x20f: {  	v6 =	vmul.f32 v51, v19;
	v57 =	vld.idx.msk [tilespmem:v17+s14+$0x0], $0xffff;
	v2 =	vmul.f32 v2, v58;
	v1 =	vadd.f32 v1, v7  }
0x210: {  	v59 =	vmul.f32 v48, v18;
	v4 =	vadd.f32 v54, v4;
	v60 =	vadd.f32 v56, v8  }
0x211: {  	v61 =	vld.idx.msk [tilespmem:v20+s14+$0x0], $0xffff;
	v2 =	vadd.f32 v2, v3;
	v63 =	vmul.f32 v55, v18  }
0x212: {  	v1 =	vmul.f32 v1, v52;
	v3 =	vadd.f32 v59, v4;
	v62 =	vadd.f32 v6, v60;
	_ =	sdelay $0x1  }
0x213: {  	s18 =	sadd.s32 $0x1, s18;
	v1 =	vadd.f32 v1, v2;
	v2 =	vmul.f32 v3, v57;
	v3 =	vadd.f32 v63, v62  }
0x214: {  	p0 =	sne.s32 s18, $0x20  }
.Ltmp1:
0x215: {  	v1 =	vadd.f32 v2, v1;
	v2 =	vmul.f32 v3, v61;
	(pc) =	sbr.rel @p0 .LBB2_2-.Ltmp1, $3  }
0x216: {  	_ = 	snop  }
0x217: {  	v1 =	vadd.f32 v2, v1;
	_ =	sdelay $0x1  }
0x218: {  	[tilespmem:s19+$0x11400] =	vst v1  }
0x219: {  	s17 =	sadd.s32 $0x1, s17  }
0x21a: {  	p0 =	sne.s32 s17, s9  }
.Ltmp2:
0x21b: {  	_ = 	snop;
	(pc) =	sbr.rel @p0 .LBB2_1-.Ltmp2, $4  }
0x21c: {  	[hbm4b:s8+s3] =	stream.linear.scatter [tilespmem:s16], [sflag:$0x2], $0x200, $0x38;
	[tilespmem:$0x11600] =	vst v63  }
0x21d: {  	_ =	swait.ge [sflag:s10], $0x200  }
0x21e: {  	[sflag:s10] =	ssyncset.done $0x0  }
0x21f: {  	[sflag:s10] =	ssyncadd.s32 $0xFFFFFE00  }
0x220: {  	_ =	sfence.sel $0x180000  }
0x221: {  	[bflag:$0x0] =	sbarrier.arrive $0xFFFF  }
0x222: {  	p0 =	sne.s32 s4, $0x0;
	_ =	strace $0x90000047  }
0x223: {  	s0 =	sadd.s32 @!p0 $0x100000, s0;
	[bflag:$0x2] =	sbarrier.arrive $0xFFFF  }
0x224: {  	[sflag:s0] =	ssyncadd.tile.s32 @!p0 $0x1;
	_ =	shalt  }
.Lfunc_end2:
_tile_overlayer_lowered:
.L_overlay_start_2:
0x225: {  	(tag) =	ssettag $0x2  }
0x226: {  	s0 =	rddreg [dreg:$0x0];
	s2 =	stileid.u32  }
0x227: {  	s1 =	rddreg [dreg:$0x1];
	p0 =	sne.s32 s2, $0x0  }
0x228: {  	s3 =	rddreg [dreg:$0x2];
	[bflag:$0x3] =	sbarrier.arrive $0xFFFF;
	s2 =	simm.s32 @!p0 $0x1C02  }
0x229: {  	[timem:s3], [sflag:s2] =	dma.local @!p0 [hbm:s0], s1  }
0x22a: {  	s0 =	simm.s32 @!p0 $0x2  }
0x22b: {  	_ =	swait.ge @!p0 [sflag:s0], s1  }
0x22c: {  	s1 =	ssub.s32 @!p0 $0x0, s1;
	[sflag:s0] =	ssyncset.done @!p0 $0x0  }
0x22d: {  	[sflag:s0] =	ssyncadd.s32 @!p0 s1  }
0x22e: {  	[bflag:$0x3] =	sbarrier.arrive $0xFFFF  }
0x22f: {  	_ =	shalt  }

</sc_bundles>
